<compile_context>
chip_gen: v7x
topology: tpu7x:2x2x1
jax: 0.10.2.dev20260603
libtpu: 0.0.44.dev20260713+nightly
codegen_flags: <defaults>
</compile_context>

<pallas_src>
import functools

import jax
import jax.numpy as jnp
from jax import lax
from jax.experimental import pallas as pl
from jax.experimental.pallas import tpu as pltpu
from jax.experimental.pallas import tpu_sc as plsc

N = 10000
E = 320000
R = 4
NR = N * R
TRASH = NR
NSEG_PAD = 40448
NSEG128 = NSEG_PAD // 4
NPADT = 10240
NCORES = 2
NSUB = 16
NW = NCORES * NSUB
EW = E // NW
GRB = 256
GROUPS = 40
SBE = GROUPS * GRB
ROWS_PER_TILE = NSEG_PAD // NSUB
ROWS128_PER_TILE = NSEG128 // NSUB
TROWS_PER_TILE = NPADT // NSUB


def _pad_perworker(a, padval):
    a = a.astype(jnp.int32).reshape(NW, EW)
    a = jnp.pad(a, ((0, 0), (0, SBE - EW)), constant_values=padval)
    return a.reshape(NW, GROUPS, GRB)



@functools.partial(jax.jit, static_argnames=("C",))
def _sc_layer(table_cm, gidx, seg, zeros32, C):
    mesh = plsc.VectorSubcoreMesh(core_axis_name="c", subcore_axis_name="s")

    @functools.partial(
        pl.kernel,
        out_type=jax.ShapeDtypeStruct((C, NCORES, NSEG_PAD, 32), jnp.float32),
        mesh=mesh,
        scratch_types=[
            pltpu.VMEM((GROUPS, GRB), jnp.int32),
            pltpu.VMEM((GROUPS, GRB), jnp.int32),
            pltpu.VMEM((GRB, 32), jnp.float32),
            pltpu.VMEM_SHARED((NSEG_PAD, 32), jnp.float32),
            pltpu.VMEM_SHARED((NPADT, 32), jnp.float32),
        ],
        compiler_params=pltpu.CompilerParams(use_tc_tiling_on_sc=False),
    )
    def k(table_hbm, gidx_hbm, seg_hbm, zeros_hbm, out_hbm, gbuf, sbuf, dbuf,
          acc, tbl):
        cid = lax.axis_index("c")
        sid = lax.axis_index("s")
        wid = sid * NCORES + cid
        row0 = sid * ROWS_PER_TILE
        trow0 = sid * TROWS_PER_TILE
        pltpu.sync_copy(seg_hbm.at[wid], sbuf)
        pltpu.sync_copy(gidx_hbm.at[wid], gbuf)
        for c in range(C):
            pltpu.sync_copy(zeros_hbm, acc.at[pl.ds(row0, ROWS_PER_TILE)])
            pltpu.sync_copy(
                table_hbm.at[c].at[pl.ds(trow0, TROWS_PER_TILE)],
                tbl.at[pl.ds(trow0, TROWS_PER_TILE)],
            )
            plsc.subcore_barrier()
            for grp in range(GROUPS):
                pltpu.sync_copy(tbl.at[gbuf.at[grp]], dbuf)
                pltpu.sync_copy(dbuf, acc.at[sbuf.at[grp]], add=True)
            plsc.subcore_barrier()
            pltpu.sync_copy(
                acc.at[pl.ds(row0, ROWS_PER_TILE)],
                out_hbm.at[c].at[cid].at[pl.ds(row0, ROWS_PER_TILE)],
            )
            plsc.subcore_barrier()

    return k(table_cm, gidx, seg, zeros32)


@jax.jit
def _sc_counts(seg, ones32, zeros32):
    mesh = plsc.VectorSubcoreMesh(core_axis_name="c", subcore_axis_name="s")

    @functools.partial(
        pl.kernel,
        out_type=jax.ShapeDtypeStruct((NCORES, NSEG_PAD, 32), jnp.float32),
        mesh=mesh,
        scratch_types=[
            pltpu.VMEM((GROUPS, GRB), jnp.int32),
            pltpu.VMEM((GRB, 32), jnp.float32),
            pltpu.VMEM_SHARED((NSEG_PAD, 32), jnp.float32),
        ],
        compiler_params=pltpu.CompilerParams(use_tc_tiling_on_sc=False),
    )
    def k(seg_hbm, ones_hbm, zeros_hbm, out_hbm, sbuf, obuf, acc):
        cid = lax.axis_index("c")
        sid = lax.axis_index("s")
        wid = sid * NCORES + cid
        row0 = sid * ROWS_PER_TILE
        pltpu.sync_copy(seg_hbm.at[wid], sbuf)
        pltpu.sync_copy(ones_hbm, obuf)
        pltpu.sync_copy(zeros_hbm, acc.at[pl.ds(row0, ROWS_PER_TILE)])
        plsc.subcore_barrier()
        for grp in range(GROUPS):
            pltpu.sync_copy(obuf, acc.at[sbuf.at[grp]], add=True)
        plsc.subcore_barrier()
        pltpu.sync_copy(
            acc.at[pl.ds(row0, ROWS_PER_TILE)],
            out_hbm.at[cid].at[pl.ds(row0, ROWS_PER_TILE)],
        )

    return k(seg, ones32, zeros32)



_NB = 5
_NBLK = N // _NB


def _tc_post(parts, cnt, W, x, root, b, O, chunk_major_out):
    C = parts.shape[0]
    F_in = x.shape[1]
    CO = O // 32

    def body(p_ref, c_ref, w_ref, x_ref, r_ref, b_ref, o_ref, *ocm):
        inv = 1.0 / jnp.maximum(c_ref[0] + c_ref[1], 1.0)
        acc = jnp.dot(x_ref[...], r_ref[...],
                      preferred_element_type=jnp.float32)
        for c in range(C):
            p128 = p_ref[c, 0] + p_ref[c, 1]
            for r in range(R):
                m = (p128[:, r * 32:(r + 1) * 32]
                     * inv[:, r * 32:(r + 1) * 32])
                acc = acc + jnp.dot(
                    m, w_ref[r, c * 32:(c + 1) * 32, :],
                    preferred_element_type=jnp.float32)
        h = jnp.maximum(acc + b_ref[...], 0.0)
        o_ref[...] = h
        if ocm:
            for c in range(CO):
                ocm[0][c] = h[:, c * 32:(c + 1) * 32]

    in_specs = [
        pl.BlockSpec((C, 2, _NBLK, 128), lambda nb: (0, 0, nb, 0)),
        pl.BlockSpec((2, _NBLK, 128), lambda nb: (0, nb, 0)),
        pl.BlockSpec((R, 32 * C, O), lambda nb: (0, 0, 0)),
        pl.BlockSpec((_NBLK, F_in), lambda nb: (nb, 0)),
        pl.BlockSpec((F_in, O), lambda nb: (0, 0)),
        pl.BlockSpec((1, O), lambda nb: (0, 0)),
    ]
    out_specs = [pl.BlockSpec((_NBLK, O), lambda nb: (nb, 0))]
    out_shape = [jax.ShapeDtypeStruct((N, O), jnp.float32)]
    if chunk_major_out:
        out_specs.append(pl.BlockSpec((CO, _NBLK, 32), lambda nb: (0, nb, 0)))
        out_shape.append(jax.ShapeDtypeStruct((CO, NPADT, 32), jnp.float32))

    return pl.pallas_call(
        body,
        grid=(_NB,),
        in_specs=in_specs,
        out_specs=out_specs,
        out_shape=out_shape,
    )(parts, cnt, W, x, root, b.reshape(1, O))



def kernel(atom, bond, connection, W1, root1, b1, W2, root2, b2, W3, root3, b3):
    src = connection[0].astype(jnp.int32)
    dst = connection[1].astype(jnp.int32)
    etype = bond.astype(jnp.int32)

    gidx = _pad_perworker(src, 0)
    seg = _pad_perworker(dst * R + etype, TRASH)

    zeros32 = jnp.zeros((ROWS_PER_TILE, 32), jnp.float32)
    ones32 = jnp.ones((GRB, 32), jnp.float32)

    cnt = _sc_counts(seg, ones32, zeros32).reshape(NCORES, NSEG128, 128)

    atom_cm = jnp.pad(
        jnp.transpose(atom.reshape(N, 4, 32), (1, 0, 2)),
        ((0, 0), (0, NPADT - N), (0, 0)))

    parts1 = _sc_layer(atom_cm, gidx, seg, zeros32, C=4)
    h1, h1_cm = _tc_post(parts1.reshape(4, NCORES, NSEG128, 128), cnt,
                         W1, atom, root1, b1, O=64, chunk_major_out=True)
    parts2 = _sc_layer(h1_cm, gidx, seg, zeros32, C=2)
    h2, h2_cm = _tc_post(parts2.reshape(2, NCORES, NSEG128, 128), cnt,
                         W2, h1, root2, b2, O=128, chunk_major_out=True)
    parts3 = _sc_layer(h2_cm, gidx, seg, zeros32, C=4)
    (h3,) = _tc_post(parts3.reshape(4, NCORES, NSEG128, 128), cnt,
                     W3, h2, root3, b3, O=256, chunk_major_out=False)
    return h3

# --- scband reference (transcript-rebuilt; emitter-appended) ---
"""Pipeline reference for scband-atom-bond-encoder-section-22832046146006 (READ-ONLY COPY).

The authoritative reference and input builder live on the scoring server;
editing this copy changes nothing except your own understanding.
"""

import jax, jax.numpy as jnp
import numpy as np

N = 10000
E = 320000
R = 4
D_IN = 128


def setup_inputs(seed: int = 0) -> dict:
    key = jax.random.key(seed)
    ks = jax.random.split(key, 16)
    atom = jax.random.normal(ks[0], (N, D_IN), dtype=jnp.float32)
    bond = jax.random.randint(ks[1], (E,), 0, R, dtype=jnp.int32)
    connection = jax.random.randint(ks[2], (2, E), 0, N, dtype=jnp.int32)
    # RGCN layer 1: 128 -> 64
    W1 = jax.random.normal(ks[3], (R, 128, 64), dtype=jnp.float32) * 0.05
    root1 = jax.random.normal(ks[4], (128, 64), dtype=jnp.float32) * 0.05
    b1 = jnp.zeros((64,), dtype=jnp.float32)
    # RGCN layer 2: 64 -> 128
    W2 = jax.random.normal(ks[5], (R, 64, 128), dtype=jnp.float32) * 0.05
    root2 = jax.random.normal(ks[6], (64, 128), dtype=jnp.float32) * 0.05
    b2 = jnp.zeros((128,), dtype=jnp.float32)
    # RGCN layer 3: 128 -> 256
    W3 = jax.random.normal(ks[7], (R, 128, 256), dtype=jnp.float32) * 0.05
    root3 = jax.random.normal(ks[8], (128, 256), dtype=jnp.float32) * 0.05
    b3 = jnp.zeros((256,), dtype=jnp.float32)
    return {"atom": atom, "bond": bond, "connection": connection,
            "W1": W1, "root1": root1, "b1": b1,
            "W2": W2, "root2": root2, "b2": b2,
            "W3": W3, "root3": root3, "b3": b3}


def _rgcn_layer(x, src, dst, etype, W, root, bias):
    # Per-relation linear transform of all nodes: [R, N, O]
    xw = jnp.einsum('nf,rfo->rno', x, W)
    # Gather per-edge messages using (relation, src) indexing
    msg = xw[etype, src]  # [E, O]
    # Mean aggregation per (dst, relation), matching PyG RGCNConv aggr='mean'
    seg = dst * R + etype
    sums = jax.ops.segment_sum(msg, seg, num_segments=N * R)
    cnt = jax.ops.segment_sum(jnp.ones((msg.shape[0],), dtype=x.dtype), seg, num_segments=N * R)
    mean = sums / jnp.clip(cnt, 1.0, None)[:, None]
    agg = mean.reshape(N, R, -1).sum(axis=1)  # sum over relations
    return agg + x @ root + bias


def reference(atom, bond, connection, W1, root1, b1, W2, root2, b2, W3, root3, b3):
    src = connection[0]
    dst = connection[1]
    h = jax.nn.relu(_rgcn_layer(atom, src, dst, bond, W1, root1, b1))
    # dropout is identity in eval mode (training=False)
    h = jax.nn.relu(_rgcn_layer(h, src, dst, bond, W2, root2, b2))
    h = jax.nn.relu(_rgcn_layer(h, src, dst, bond, W3, root3, b3))
    return h

if __name__ == "__main__":
    import jax
    _d = setup_inputs()
    print(jax.jit(kernel)(*tuple(_d.values())))

</pallas_src>

<mosaic_0001>
#map = affine_map<(d0, d1) -> (0, 0, 0)>
#map1 = affine_map<(d0, d1) -> (0, 0)>
module attributes {stable_mosaic.version = 14 : i64} {
  func.func @k(%arg0: i32, %arg1: i32, %arg2: memref<32x40x256xi32, #tpu.memory_space<hbm>>, %arg3: memref<256x32xf32, #tpu.memory_space<hbm>>, %arg4: memref<2528x32xf32, #tpu.memory_space<hbm>>, %arg5: memref<2x40448x32xf32, #tpu.memory_space<hbm>>, %arg6: memref<40x256xi32, #tpu.memory_space<vmem>>, %arg7: memref<256x32xf32, #tpu.memory_space<vmem>>, %arg8: memref<40448x32xf32, #tpu.memory_space<vmem_shared>>) attributes {dimension_semantics = [#tpu.dimension_semantics<core_parallel>, #tpu.dimension_semantics<subcore_parallel>], iteration_bounds = array<i64: 2, 16>, scalar_prefetch = 0 : i64, scratch_operands = 3 : i64, tpu.core_type = #tpu.core_type<sc_vector_subcore>, window_params = [{transform_indices = #map}, {transform_indices = #map1}, {transform_indices = #map1}, {transform_indices = #map}]} {
    %mul3A = arith.constant 2 : i32
    %mul3A_0 = arith.muli %arg1, %mul3A : i32
    %add3A = arith.addi %mul3A_0, %arg0 : i32
    %mul3A_1 = arith.constant 2528 : i32
    %mul3A_2 = arith.muli %arg1, %mul3A_1 : i32
    "tpu.region"() ({
      %run_scoped3A_43 = tpu.sem_alloc : memref<!tpu.dma_semaphore, #tpu.memory_space<semaphore_mem>>
      %dma_start3A = arith.constant 0 : i32
      %dma_start3A_44 = arith.constant 0 : i32
      %dma_start3A_45 = tpu.memref_slice %arg2[%add3A, %dma_start3A, %dma_start3A_44] : memref<32x40x256xi32, #tpu.memory_space<hbm>> -> memref<1x40x256xi32, #tpu.memory_space<hbm>>
      %dma_start3A_46 = tpu.memref_squeeze %dma_start3A_45 : memref<1x40x256xi32, #tpu.memory_space<hbm>> -> memref<40x256xi32, #tpu.memory_space<hbm>>
      %dma_start3A_47 = arith.constant 0 : i32
      %dma_start3A_48 = arith.constant 0 : i32
      %dma_start3A_49 = tpu.memref_slice %arg2[%add3A, %dma_start3A_47, %dma_start3A_48] : memref<32x40x256xi32, #tpu.memory_space<hbm>> -> memref<1x40x256xi32, #tpu.memory_space<hbm>>
      %dma_start3A_50 = tpu.memref_squeeze %dma_start3A_49 : memref<1x40x256xi32, #tpu.memory_space<hbm>> -> memref<40x256xi32, #tpu.memory_space<hbm>>
      tpu.enqueue_dma source(%dma_start3A_50 : memref<40x256xi32, #tpu.memory_space<hbm>>) target(%arg6 : memref<40x256xi32, #tpu.memory_space<vmem>>) target_semaphore(%run_scoped3A_43 : memref<!tpu.dma_semaphore, #tpu.memory_space<semaphore_mem>>)
      %dma_wait3A = arith.constant 0 : i32
      %dma_wait3A_51 = arith.constant 0 : i32
      %dma_wait3A_52 = tpu.memref_slice %arg2[%add3A, %dma_wait3A, %dma_wait3A_51] : memref<32x40x256xi32, #tpu.memory_space<hbm>> -> memref<1x40x256xi32, #tpu.memory_space<hbm>>
      %dma_wait3A_53 = tpu.memref_squeeze %dma_wait3A_52 : memref<1x40x256xi32, #tpu.memory_space<hbm>> -> memref<40x256xi32, #tpu.memory_space<hbm>>
      %dma_wait3A_54 = arith.constant 0 : i32
      %dma_wait3A_55 = arith.constant 0 : i32
      %dma_wait3A_56 = tpu.memref_slice %arg2[%add3A, %dma_wait3A_54, %dma_wait3A_55] : memref<32x40x256xi32, #tpu.memory_space<hbm>> -> memref<1x40x256xi32, #tpu.memory_space<hbm>>
      %dma_wait3A_57 = tpu.memref_squeeze %dma_wait3A_56 : memref<1x40x256xi32, #tpu.memory_space<hbm>> -> memref<40x256xi32, #tpu.memory_space<hbm>>
      tpu.wait_dma2 semaphore(%run_scoped3A_43 : memref<!tpu.dma_semaphore, #tpu.memory_space<semaphore_mem>>) src(%dma_wait3A_57 : memref<40x256xi32, #tpu.memory_space<hbm>>) dst(%arg6 : memref<40x256xi32, #tpu.memory_space<vmem>>)
      tpu.yield
    }) : () -> ()
    "tpu.region"() ({
      %run_scoped3A_43 = tpu.sem_alloc : memref<!tpu.dma_semaphore, #tpu.memory_space<semaphore_mem>>
      tpu.enqueue_dma source(%arg3 : memref<256x32xf32, #tpu.memory_space<hbm>>) target(%arg7 : memref<256x32xf32, #tpu.memory_space<vmem>>) target_semaphore(%run_scoped3A_43 : memref<!tpu.dma_semaphore, #tpu.memory_space<semaphore_mem>>)
      tpu.wait_dma2 semaphore(%run_scoped3A_43 : memref<!tpu.dma_semaphore, #tpu.memory_space<semaphore_mem>>) src(%arg3 : memref<256x32xf32, #tpu.memory_space<hbm>>) dst(%arg7 : memref<256x32xf32, #tpu.memory_space<vmem>>)
      tpu.yield
    }) : () -> ()
    "tpu.region"() ({
      %run_scoped3A_43 = tpu.sem_alloc : memref<!tpu.dma_semaphore, #tpu.memory_space<semaphore_mem>>
      %dma_start3A = arith.constant 0 : i32
      %dma_start3A_44 = tpu.memref_slice %arg8[%mul3A_2, %dma_start3A] : memref<40448x32xf32, #tpu.memory_space<vmem_shared>> -> memref<2528x32xf32, #tpu.memory_space<vmem_shared>>
      tpu.enqueue_dma source(%arg4 : memref<2528x32xf32, #tpu.memory_space<hbm>>) target(%dma_start3A_44 : memref<2528x32xf32, #tpu.memory_space<vmem_shared>>) target_semaphore(%run_scoped3A_43 : memref<!tpu.dma_semaphore, #tpu.memory_space<semaphore_mem>>)
      %dma_wait3A = arith.constant 0 : i32
      %dma_wait3A_45 = tpu.memref_slice %arg8[%mul3A_2, %dma_wait3A] : memref<40448x32xf32, #tpu.memory_space<vmem_shared>> -> memref<2528x32xf32, #tpu.memory_space<vmem_shared>>
      tpu.wait_dma2 semaphore(%run_scoped3A_43 : memref<!tpu.dma_semaphore, #tpu.memory_space<semaphore_mem>>) src(%arg4 : memref<2528x32xf32, #tpu.memory_space<hbm>>) dst(%dma_wait3A_45 : memref<2528x32xf32, #tpu.memory_space<vmem_shared>>)
      tpu.yield
    }) : () -> ()
    %barrier3A = arith.constant 0 : index
    tpu.barrier barrier_id(%barrier3A)
    %run_scoped3A = arith.constant 0 : i32
    "tpu.region"() ({
      %run_scoped3A_43 = tpu.sem_alloc : memref<!tpu.dma_semaphore, #tpu.memory_space<semaphore_mem>>
      %dma_start3A = arith.constant 0 : i32
      %dma_start3A_44 = tpu.memref_slice %arg6[%run_scoped3A, %dma_start3A] : memref<40x256xi32, #tpu.memory_space<vmem>> -> memref<1x256xi32, #tpu.memory_space<vmem>>
      %dma_start3A_45 = tpu.memref_squeeze %dma_start3A_44 : memref<1x256xi32, #tpu.memory_space<vmem>> -> memref<256xi32, #tpu.memory_space<vmem>>
      %dma_start3A_46 = arith.constant 0 : i32
      %dma_start3A_47 = arith.constant 0 : i32
      %dma_start3A_48 = tpu.memref_slice %arg8[%dma_start3A_46, %dma_start3A_47] : memref<40448x32xf32, #tpu.memory_space<vmem_shared>> -> memref<40448x32xf32, #tpu.memory_space<vmem_shared>>
      tpu.enqueue_indirect_dma source(%arg7 : memref<256x32xf32, #tpu.memory_space<vmem>>) target(%dma_start3A_48 : memref<40448x32xf32, #tpu.memory_space<vmem_shared>>) offsets(%dma_start3A_45 : memref<256xi32, #tpu.memory_space<vmem>>) semaphore(%run_scoped3A_43 : memref<!tpu.dma_semaphore, #tpu.memory_space<semaphore_mem>>) {add = true}
      %dma_wait3A = arith.constant 0 : i32
      %dma_wait3A_49 = tpu.memref_slice %arg6[%run_scoped3A, %dma_wait3A] : memref<40x256xi32, #tpu.memory_space<vmem>> -> memref<1x256xi32, #tpu.memory_space<vmem>>
      %dma_wait3A_50 = tpu.memref_squeeze %dma_wait3A_49 : memref<1x256xi32, #tpu.memory_space<vmem>> -> memref<256xi32, #tpu.memory_space<vmem>>
      %dma_wait3A_51 = arith.constant 0 : i32
      %dma_wait3A_52 = arith.constant 0 : i32
      %dma_wait3A_53 = tpu.memref_slice %arg8[%dma_wait3A_51, %dma_wait3A_52] : memref<40448x32xf32, #tpu.memory_space<vmem_shared>> -> memref<40448x32xf32, #tpu.memory_space<vmem_shared>>
      tpu.wait_indirect_dma semaphore(%run_scoped3A_43 : memref<!tpu.dma_semaphore, #tpu.memory_space<semaphore_mem>>) src(%arg7 : memref<256x32xf32, #tpu.memory_space<vmem>>) dst(%dma_wait3A_53 : memref<40448x32xf32, #tpu.memory_space<vmem_shared>>)
      tpu.yield
    }) : () -> ()
    %run_scoped3A_3 = arith.constant 1 : i32
    "tpu.region"() ({
      %run_scoped3A_43 = tpu.sem_alloc : memref<!tpu.dma_semaphore, #tpu.memory_space<semaphore_mem>>
      %dma_start3A = arith.constant 0 : i32
      %dma_start3A_44 = tpu.memref_slice %arg6[%run_scoped3A_3, %dma_start3A] : memref<40x256xi32, #tpu.memory_space<vmem>> -> memref<1x256xi32, #tpu.memory_space<vmem>>
      %dma_start3A_45 = tpu.memref_squeeze %dma_start3A_44 : memref<1x256xi32, #tpu.memory_space<vmem>> -> memref<256xi32, #tpu.memory_space<vmem>>
      %dma_start3A_46 = arith.constant 0 : i32
      %dma_start3A_47 = arith.constant 0 : i32
      %dma_start3A_48 = tpu.memref_slice %arg8[%dma_start3A_46, %dma_start3A_47] : memref<40448x32xf32, #tpu.memory_space<vmem_shared>> -> memref<40448x32xf32, #tpu.memory_space<vmem_shared>>
      tpu.enqueue_indirect_dma source(%arg7 : memref<256x32xf32, #tpu.memory_space<vmem>>) target(%dma_start3A_48 : memref<40448x32xf32, #tpu.memory_space<vmem_shared>>) offsets(%dma_start3A_45 : memref<256xi32, #tpu.memory_space<vmem>>) semaphore(%run_scoped3A_43 : memref<!tpu.dma_semaphore, #tpu.memory_space<semaphore_mem>>) {add = true}
      %dma_wait3A = arith.constant 0 : i32
      %dma_wait3A_49 = tpu.memref_slice %arg6[%run_scoped3A_3, %dma_wait3A] : memref<40x256xi32, #tpu.memory_space<vmem>> -> memref<1x256xi32, #tpu.memory_space<vmem>>
      %dma_wait3A_50 = tpu.memref_squeeze %dma_wait3A_49 : memref<1x256xi32, #tpu.memory_space<vmem>> -> memref<256xi32, #tpu.memory_space<vmem>>
      %dma_wait3A_51 = arith.constant 0 : i32
      %dma_wait3A_52 = arith.constant 0 : i32
      %dma_wait3A_53 = tpu.memref_slice %arg8[%dma_wait3A_51, %dma_wait3A_52] : memref<40448x32xf32, #tpu.memory_space<vmem_shared>> -> memref<40448x32xf32, #tpu.memory_space<vmem_shared>>
      tpu.wait_indirect_dma semaphore(%run_scoped3A_43 : memref<!tpu.dma_semaphore, #tpu.memory_space<semaphore_mem>>) src(%arg7 : memref<256x32xf32, #tpu.memory_space<vmem>>) dst(%dma_wait3A_53 : memref<40448x32xf32, #tpu.memory_space<vmem_shared>>)
      tpu.yield
    }) : () -> ()
    %run_scoped3A_4 = arith.constant 2 : i32
    "tpu.region"() ({
      %run_scoped3A_43 = tpu.sem_alloc : memref<!tpu.dma_semaphore, #tpu.memory_space<semaphore_mem>>
      %dma_start3A = arith.constant 0 : i32
      %dma_start3A_44 = tpu.memref_slice %arg6[%run_scoped3A_4, %dma_start3A] : memref<40x256xi32, #tpu.memory_space<vmem>> -> memref<1x256xi32, #tpu.memory_space<vmem>>
      %dma_start3A_45 = tpu.memref_squeeze %dma_start3A_44 : memref<1x256xi32, #tpu.memory_space<vmem>> -> memref<256xi32, #tpu.memory_space<vmem>>
      %dma_start3A_46 = arith.constant 0 : i32
      %dma_start3A_47 = arith.constant 0 : i32
      %dma_start3A_48 = tpu.memref_slice %arg8[%dma_start3A_46, %dma_start3A_47] : memref<40448x32xf32, #tpu.memory_space<vmem_shared>> -> memref<40448x32xf32, #tpu.memory_space<vmem_shared>>
      tpu.enqueue_indirect_dma source(%arg7 : memref<256x32xf32, #tpu.memory_space<vmem>>) target(%dma_start3A_48 : memref<40448x32xf32, #tpu.memory_space<vmem_shared>>) offsets(%dma_start3A_45 : memref<256xi32, #tpu.memory_space<vmem>>) semaphore(%run_scoped3A_43 : memref<!tpu.dma_semaphore, #tpu.memory_space<semaphore_mem>>) {add = true}
      %dma_wait3A = arith.constant 0 : i32
      %dma_wait3A_49 = tpu.memref_slice %arg6[%run_scoped3A_4, %dma_wait3A] : memref<40x256xi32, #tpu.memory_space<vmem>> -> memref<1x256xi32, #tpu.memory_space<vmem>>
      %dma_wait3A_50 = tpu.memref_squeeze %dma_wait3A_49 : memref<1x256xi32, #tpu.memory_space<vmem>> -> memref<256xi32, #tpu.memory_space<vmem>>
      %dma_wait3A_51 = arith.constant 0 : i32
      %dma_wait3A_52 = arith.constant 0 : i32
      %dma_wait3A_53 = tpu.memref_slice %arg8[%dma_wait3A_51, %dma_wait3A_52] : memref<40448x32xf32, #tpu.memory_space<vmem_shared>> -> memref<40448x32xf32, #tpu.memory_space<vmem_shared>>
      tpu.wait_indirect_dma semaphore(%run_scoped3A_43 : memref<!tpu.dma_semaphore, #tpu.memory_space<semaphore_mem>>) src(%arg7 : memref<256x32xf32, #tpu.memory_space<vmem>>) dst(%dma_wait3A_53 : memref<40448x32xf32, #tpu.memory_space<vmem_shared>>)
      tpu.yield
    }) : () -> ()
    %run_scoped3A_5 = arith.constant 3 : i32
    "tpu.region"() ({
      %run_scoped3A_43 = tpu.sem_alloc : memref<!tpu.dma_semaphore, #tpu.memory_space<semaphore_mem>>
      %dma_start3A = arith.constant 0 : i32
      %dma_start3A_44 = tpu.memref_slice %arg6[%run_scoped3A_5, %dma_start3A] : memref<40x256xi32, #tpu.memory_space<vmem>> -> memref<1x256xi32, #tpu.memory_space<vmem>>
      %dma_start3A_45 = tpu.memref_squeeze %dma_start3A_44 : memref<1x256xi32, #tpu.memory_space<vmem>> -> memref<256xi32, #tpu.memory_space<vmem>>
      %dma_start3A_46 = arith.constant 0 : i32
      %dma_start3A_47 = arith.constant 0 : i32
      %dma_start3A_48 = tpu.memref_slice %arg8[%dma_start3A_46, %dma_start3A_47] : memref<40448x32xf32, #tpu.memory_space<vmem_shared>> -> memref<40448x32xf32, #tpu.memory_space<vmem_shared>>
      tpu.enqueue_indirect_dma source(%arg7 : memref<256x32xf32, #tpu.memory_space<vmem>>) target(%dma_start3A_48 : memref<40448x32xf32, #tpu.memory_space<vmem_shared>>) offsets(%dma_start3A_45 : memref<256xi32, #tpu.memory_space<vmem>>) semaphore(%run_scoped3A_43 : memref<!tpu.dma_semaphore, #tpu.memory_space<semaphore_mem>>) {add = true}
      %dma_wait3A = arith.constant 0 : i32
      %dma_wait3A_49 = tpu.memref_slice %arg6[%run_scoped3A_5, %dma_wait3A] : memref<40x256xi32, #tpu.memory_space<vmem>> -> memref<1x256xi32, #tpu.memory_space<vmem>>
      %dma_wait3A_50 = tpu.memref_squeeze %dma_wait3A_49 : memref<1x256xi32, #tpu.memory_space<vmem>> -> memref<256xi32, #tpu.memory_space<vmem>>
      %dma_wait3A_51 = arith.constant 0 : i32
      %dma_wait3A_52 = arith.constant 0 : i32
      %dma_wait3A_53 = tpu.memref_slice %arg8[%dma_wait3A_51, %dma_wait3A_52] : memref<40448x32xf32, #tpu.memory_space<vmem_shared>> -> memref<40448x32xf32, #tpu.memory_space<vmem_shared>>
      tpu.wait_indirect_dma semaphore(%run_scoped3A_43 : memref<!tpu.dma_semaphore, #tpu.memory_space<semaphore_mem>>) src(%arg7 : memref<256x32xf32, #tpu.memory_space<vmem>>) dst(%dma_wait3A_53 : memref<40448x32xf32, #tpu.memory_space<vmem_shared>>)
      tpu.yield
    }) : () -> ()
    %run_scoped3A_6 = arith.constant 4 : i32
    "tpu.region"() ({
      %run_scoped3A_43 = tpu.sem_alloc : memref<!tpu.dma_semaphore, #tpu.memory_space<semaphore_mem>>
      %dma_start3A = arith.constant 0 : i32
      %dma_start3A_44 = tpu.memref_slice %arg6[%run_scoped3A_6, %dma_start3A] : memref<40x256xi32, #tpu.memory_space<vmem>> -> memref<1x256xi32, #tpu.memory_space<vmem>>
      %dma_start3A_45 = tpu.memref_squeeze %dma_start3A_44 : memref<1x256xi32, #tpu.memory_space<vmem>> -> memref<256xi32, #tpu.memory_space<vmem>>
      %dma_start3A_46 = arith.constant 0 : i32
      %dma_start3A_47 = arith.constant 0 : i32
      %dma_start3A_48 = tpu.memref_slice %arg8[%dma_start3A_46, %dma_start3A_47] : memref<40448x32xf32, #tpu.memory_space<vmem_shared>> -> memref<40448x32xf32, #tpu.memory_space<vmem_shared>>
      tpu.enqueue_indirect_dma source(%arg7 : memref<256x32xf32, #tpu.memory_space<vmem>>) target(%dma_start3A_48 : memref<40448x32xf32, #tpu.memory_space<vmem_shared>>) offsets(%dma_start3A_45 : memref<256xi32, #tpu.memory_space<vmem>>) semaphore(%run_scoped3A_43 : memref<!tpu.dma_semaphore, #tpu.memory_space<semaphore_mem>>) {add = true}
      %dma_wait3A = arith.constant 0 : i32
      %dma_wait3A_49 = tpu.memref_slice %arg6[%run_scoped3A_6, %dma_wait3A] : memref<40x256xi32, #tpu.memory_space<vmem>> -> memref<1x256xi32, #tpu.memory_space<vmem>>
      %dma_wait3A_50 = tpu.memref_squeeze %dma_wait3A_49 : memref<1x256xi32, #tpu.memory_space<vmem>> -> memref<256xi32, #tpu.memory_space<vmem>>
      %dma_wait3A_51 = arith.constant 0 : i32
      %dma_wait3A_52 = arith.constant 0 : i32
      %dma_wait3A_53 = tpu.memref_slice %arg8[%dma_wait3A_51, %dma_wait3A_52] : memref<40448x32xf32, #tpu.memory_space<vmem_shared>> -> memref<40448x32xf32, #tpu.memory_space<vmem_shared>>
      tpu.wait_indirect_dma semaphore(%run_scoped3A_43 : memref<!tpu.dma_semaphore, #tpu.memory_space<semaphore_mem>>) src(%arg7 : memref<256x32xf32, #tpu.memory_space<vmem>>) dst(%dma_wait3A_53 : memref<40448x32xf32, #tpu.memory_space<vmem_shared>>)
      tpu.yield
    }) : () -> ()
    %run_scoped3A_7 = arith.constant 5 : i32
    "tpu.region"() ({
      %run_scoped3A_43 = tpu.sem_alloc : memref<!tpu.dma_semaphore, #tpu.memory_space<semaphore_mem>>
      %dma_start3A = arith.constant 0 : i32
      %dma_start3A_44 = tpu.memref_slice %arg6[%run_scoped3A_7, %dma_start3A] : memref<40x256xi32, #tpu.memory_space<vmem>> -> memref<1x256xi32, #tpu.memory_space<vmem>>
      %dma_start3A_45 = tpu.memref_squeeze %dma_start3A_44 : memref<1x256xi32, #tpu.memory_space<vmem>> -> memref<256xi32, #tpu.memory_space<vmem>>
      %dma_start3A_46 = arith.constant 0 : i32
      %dma_start3A_47 = arith.constant 0 : i32
      %dma_start3A_48 = tpu.memref_slice %arg8[%dma_start3A_46, %dma_start3A_47] : memref<40448x32xf32, #tpu.memory_space<vmem_shared>> -> memref<40448x32xf32, #tpu.memory_space<vmem_shared>>
      tpu.enqueue_indirect_dma source(%arg7 : memref<256x32xf32, #tpu.memory_space<vmem>>) target(%dma_start3A_48 : memref<40448x32xf32, #tpu.memory_space<vmem_shared>>) offsets(%dma_start3A_45 : memref<256xi32, #tpu.memory_space<vmem>>) semaphore(%run_scoped3A_43 : memref<!tpu.dma_semaphore, #tpu.memory_space<semaphore_mem>>) {add = true}
      %dma_wait3A = arith.constant 0 : i32
      %dma_wait3A_49 = tpu.memref_slice %arg6[%run_scoped3A_7, %dma_wait3A] : memref<40x256xi32, #tpu.memory_space<vmem>> -> memref<1x256xi32, #tpu.memory_space<vmem>>
      %dma_wait3A_50 = tpu.memref_squeeze %dma_wait3A_49 : memref<1x256xi32, #tpu.memory_space<vmem>> -> memref<256xi32, #tpu.memory_space<vmem>>
      %dma_wait3A_51 = arith.constant 0 : i32
      %dma_wait3A_52 = arith.constant 0 : i32
      %dma_wait3A_53 = tpu.memref_slice %arg8[%dma_wait3A_51, %dma_wait3A_52] : memref<40448x32xf32, #tpu.memory_space<vmem_shared>> -> memref<40448x32xf32, #tpu.memory_space<vmem_shared>>
      tpu.wait_indirect_dma semaphore(%run_scoped3A_43 : memref<!tpu.dma_semaphore, #tpu.memory_space<semaphore_mem>>) src(%arg7 : memref<256x32xf32, #tpu.memory_space<vmem>>) dst(%dma_wait3A_53 : memref<40448x32xf32, #tpu.memory_space<vmem_shared>>)
      tpu.yield
    }) : () -> ()
    %run_scoped3A_8 = arith.constant 6 : i32
    "tpu.region"() ({
      %run_scoped3A_43 = tpu.sem_alloc : memref<!tpu.dma_semaphore, #tpu.memory_space<semaphore_mem>>
      %dma_start3A = arith.constant 0 : i32
      %dma_start3A_44 = tpu.memref_slice %arg6[%run_scoped3A_8, %dma_start3A] : memref<40x256xi32, #tpu.memory_space<vmem>> -> memref<1x256xi32, #tpu.memory_space<vmem>>
      %dma_start3A_45 = tpu.memref_squeeze %dma_start3A_44 : memref<1x256xi32, #tpu.memory_space<vmem>> -> memref<256xi32, #tpu.memory_space<vmem>>
      %dma_start3A_46 = arith.constant 0 : i32
      %dma_start3A_47 = arith.constant 0 : i32
      %dma_start3A_48 = tpu.memref_slice %arg8[%dma_start3A_46, %dma_start3A_47] : memref<40448x32xf32, #tpu.memory_space<vmem_shared>> -> memref<40448x32xf32, #tpu.memory_space<vmem_shared>>
      tpu.enqueue_indirect_dma source(%arg7 : memref<256x32xf32, #tpu.memory_space<vmem>>) target(%dma_start3A_48 : memref<40448x32xf32, #tpu.memory_space<vmem_shared>>) offsets(%dma_start3A_45 : memref<256xi32, #tpu.memory_space<vmem>>) semaphore(%run_scoped3A_43 : memref<!tpu.dma_semaphore, #tpu.memory_space<semaphore_mem>>) {add = true}
      %dma_wait3A = arith.constant 0 : i32
      %dma_wait3A_49 = tpu.memref_slice %arg6[%run_scoped3A_8, %dma_wait3A] : memref<40x256xi32, #tpu.memory_space<vmem>> -> memref<1x256xi32, #tpu.memory_space<vmem>>
      %dma_wait3A_50 = tpu.memref_squeeze %dma_wait3A_49 : memref<1x256xi32, #tpu.memory_space<vmem>> -> memref<256xi32, #tpu.memory_space<vmem>>
      %dma_wait3A_51 = arith.constant 0 : i32
      %dma_wait3A_52 = arith.constant 0 : i32
      %dma_wait3A_53 = tpu.memref_slice %arg8[%dma_wait3A_51, %dma_wait3A_52] : memref<40448x32xf32, #tpu.memory_space<vmem_shared>> -> memref<40448x32xf32, #tpu.memory_space<vmem_shared>>
      tpu.wait_indirect_dma semaphore(%run_scoped3A_43 : memref<!tpu.dma_semaphore, #tpu.memory_space<semaphore_mem>>) src(%arg7 : memref<256x32xf32, #tpu.memory_space<vmem>>) dst(%dma_wait3A_53 : memref<40448x32xf32, #tpu.memory_space<vmem_shared>>)
      tpu.yield
    }) : () -> ()
    %run_scoped3A_9 = arith.constant 7 : i32
    "tpu.region"() ({
      %run_scoped3A_43 = tpu.sem_alloc : memref<!tpu.dma_semaphore, #tpu.memory_space<semaphore_mem>>
      %dma_start3A = arith.constant 0 : i32
      %dma_start3A_44 = tpu.memref_slice %arg6[%run_scoped3A_9, %dma_start3A] : memref<40x256xi32, #tpu.memory_space<vmem>> -> memref<1x256xi32, #tpu.memory_space<vmem>>
      %dma_start3A_45 = tpu.memref_squeeze %dma_start3A_44 : memref<1x256xi32, #tpu.memory_space<vmem>> -> memref<256xi32, #tpu.memory_space<vmem>>
      %dma_start3A_46 = arith.constant 0 : i32
      %dma_start3A_47 = arith.constant 0 : i32
      %dma_start3A_48 = tpu.memref_slice %arg8[%dma_start3A_46, %dma_start3A_47] : memref<40448x32xf32, #tpu.memory_space<vmem_shared>> -> memref<40448x32xf32, #tpu.memory_space<vmem_shared>>
      tpu.enqueue_indirect_dma source(%arg7 : memref<256x32xf32, #tpu.memory_space<vmem>>) target(%dma_start3A_48 : memref<40448x32xf32, #tpu.memory_space<vmem_shared>>) offsets(%dma_start3A_45 : memref<256xi32, #tpu.memory_space<vmem>>) semaphore(%run_scoped3A_43 : memref<!tpu.dma_semaphore, #tpu.memory_space<semaphore_mem>>) {add = true}
      %dma_wait3A = arith.constant 0 : i32
      %dma_wait3A_49 = tpu.memref_slice %arg6[%run_scoped3A_9, %dma_wait3A] : memref<40x256xi32, #tpu.memory_space<vmem>> -> memref<1x256xi32, #tpu.memory_space<vmem>>
      %dma_wait3A_50 = tpu.memref_squeeze %dma_wait3A_49 : memref<1x256xi32, #tpu.memory_space<vmem>> -> memref<256xi32, #tpu.memory_space<vmem>>
      %dma_wait3A_51 = arith.constant 0 : i32
      %dma_wait3A_52 = arith.constant 0 : i32
      %dma_wait3A_53 = tpu.memref_slice %arg8[%dma_wait3A_51, %dma_wait3A_52] : memref<40448x32xf32, #tpu.memory_space<vmem_shared>> -> memref<40448x32xf32, #tpu.memory_space<vmem_shared>>
      tpu.wait_indirect_dma semaphore(%run_scoped3A_43 : memref<!tpu.dma_semaphore, #tpu.memory_space<semaphore_mem>>) src(%arg7 : memref<256x32xf32, #tpu.memory_space<vmem>>) dst(%dma_wait3A_53 : memref<40448x32xf32, #tpu.memory_space<vmem_shared>>)
      tpu.yield
    }) : () -> ()
    %run_scoped3A_10 = arith.constant 8 : i32
    "tpu.region"() ({
      %run_scoped3A_43 = tpu.sem_alloc : memref<!tpu.dma_semaphore, #tpu.memory_space<semaphore_mem>>
      %dma_start3A = arith.constant 0 : i32
      %dma_start3A_44 = tpu.memref_slice %arg6[%run_scoped3A_10, %dma_start3A] : memref<40x256xi32, #tpu.memory_space<vmem>> -> memref<1x256xi32, #tpu.memory_space<vmem>>
      %dma_start3A_45 = tpu.memref_squeeze %dma_start3A_44 : memref<1x256xi32, #tpu.memory_space<vmem>> -> memref<256xi32, #tpu.memory_space<vmem>>
      %dma_start3A_46 = arith.constant 0 : i32
      %dma_start3A_47 = arith.constant 0 : i32
      %dma_start3A_48 = tpu.memref_slice %arg8[%dma_start3A_46, %dma_start3A_47] : memref<40448x32xf32, #tpu.memory_space<vmem_shared>> -> memref<40448x32xf32, #tpu.memory_space<vmem_shared>>
      tpu.enqueue_indirect_dma source(%arg7 : memref<256x32xf32, #tpu.memory_space<vmem>>) target(%dma_start3A_48 : memref<40448x32xf32, #tpu.memory_space<vmem_shared>>) offsets(%dma_start3A_45 : memref<256xi32, #tpu.memory_space<vmem>>) semaphore(%run_scoped3A_43 : memref<!tpu.dma_semaphore, #tpu.memory_space<semaphore_mem>>) {add = true}
      %dma_wait3A = arith.constant 0 : i32
      %dma_wait3A_49 = tpu.memref_slice %arg6[%run_scoped3A_10, %dma_wait3A] : memref<40x256xi32, #tpu.memory_space<vmem>> -> memref<1x256xi32, #tpu.memory_space<vmem>>
      %dma_wait3A_50 = tpu.memref_squeeze %dma_wait3A_49 : memref<1x256xi32, #tpu.memory_space<vmem>> -> memref<256xi32, #tpu.memory_space<vmem>>
      %dma_wait3A_51 = arith.constant 0 : i32
      %dma_wait3A_52 = arith.constant 0 : i32
      %dma_wait3A_53 = tpu.memref_slice %arg8[%dma_wait3A_51, %dma_wait3A_52] : memref<40448x32xf32, #tpu.memory_space<vmem_shared>> -> memref<40448x32xf32, #tpu.memory_space<vmem_shared>>
      tpu.wait_indirect_dma semaphore(%run_scoped3A_43 : memref<!tpu.dma_semaphore, #tpu.memory_space<semaphore_mem>>) src(%arg7 : memref<256x32xf32, #tpu.memory_space<vmem>>) dst(%dma_wait3A_53 : memref<40448x32xf32, #tpu.memory_space<vmem_shared>>)
      tpu.yield
    }) : () -> ()
    %run_scoped3A_11 = arith.constant 9 : i32
    "tpu.region"() ({
      %run_scoped3A_43 = tpu.sem_alloc : memref<!tpu.dma_semaphore, #tpu.memory_space<semaphore_mem>>
      %dma_start3A = arith.constant 0 : i32
      %dma_start3A_44 = tpu.memref_slice %arg6[%run_scoped3A_11, %dma_start3A] : memref<40x256xi32, #tpu.memory_space<vmem>> -> memref<1x256xi32, #tpu.memory_space<vmem>>
      %dma_start3A_45 = tpu.memref_squeeze %dma_start3A_44 : memref<1x256xi32, #tpu.memory_space<vmem>> -> memref<256xi32, #tpu.memory_space<vmem>>
      %dma_start3A_46 = arith.constant 0 : i32
      %dma_start3A_47 = arith.constant 0 : i32
      %dma_start3A_48 = tpu.memref_slice %arg8[%dma_start3A_46, %dma_start3A_47] : memref<40448x32xf32, #tpu.memory_space<vmem_shared>> -> memref<40448x32xf32, #tpu.memory_space<vmem_shared>>
      tpu.enqueue_indirect_dma source(%arg7 : memref<256x32xf32, #tpu.memory_space<vmem>>) target(%dma_start3A_48 : memref<40448x32xf32, #tpu.memory_space<vmem_shared>>) offsets(%dma_start3A_45 : memref<256xi32, #tpu.memory_space<vmem>>) semaphore(%run_scoped3A_43 : memref<!tpu.dma_semaphore, #tpu.memory_space<semaphore_mem>>) {add = true}
      %dma_wait3A = arith.constant 0 : i32
      %dma_wait3A_49 = tpu.memref_slice %arg6[%run_scoped3A_11, %dma_wait3A] : memref<40x256xi32, #tpu.memory_space<vmem>> -> memref<1x256xi32, #tpu.memory_space<vmem>>
      %dma_wait3A_50 = tpu.memref_squeeze %dma_wait3A_49 : memref<1x256xi32, #tpu.memory_space<vmem>> -> memref<256xi32, #tpu.memory_space<vmem>>
      %dma_wait3A_51 = arith.constant 0 : i32
      %dma_wait3A_52 = arith.constant 0 : i32
      %dma_wait3A_53 = tpu.memref_slice %arg8[%dma_wait3A_51, %dma_wait3A_52] : memref<40448x32xf32, #tpu.memory_space<vmem_shared>> -> memref<40448x32xf32, #tpu.memory_space<vmem_shared>>
      tpu.wait_indirect_dma semaphore(%run_scoped3A_43 : memref<!tpu.dma_semaphore, #tpu.memory_space<semaphore_mem>>) src(%arg7 : memref<256x32xf32, #tpu.memory_space<vmem>>) dst(%dma_wait3A_53 : memref<40448x32xf32, #tpu.memory_space<vmem_shared>>)
      tpu.yield
    }) : () -> ()
    %run_scoped3A_12 = arith.constant 10 : i32
    "tpu.region"() ({
      %run_scoped3A_43 = tpu.sem_alloc : memref<!tpu.dma_semaphore, #tpu.memory_space<semaphore_mem>>
      %dma_start3A = arith.constant 0 : i32
      %dma_start3A_44 = tpu.memref_slice %arg6[%run_scoped3A_12, %dma_start3A] : memref<40x256xi32, #tpu.memory_space<vmem>> -> memref<1x256xi32, #tpu.memory_space<vmem>>
      %dma_start3A_45 = tpu.memref_squeeze %dma_start3A_44 : memref<1x256xi32, #tpu.memory_space<vmem>> -> memref<256xi32, #tpu.memory_space<vmem>>
      %dma_start3A_46 = arith.constant 0 : i32
      %dma_start3A_47 = arith.constant 0 : i32
      %dma_start3A_48 = tpu.memref_slice %arg8[%dma_start3A_46, %dma_start3A_47] : memref<40448x32xf32, #tpu.memory_space<vmem_shared>> -> memref<40448x32xf32, #tpu.memory_space<vmem_shared>>
      tpu.enqueue_indirect_dma source(%arg7 : memref<256x32xf32, #tpu.memory_space<vmem>>) target(%dma_start3A_48 : memref<40448x32xf32, #tpu.memory_space<vmem_shared>>) offsets(%dma_start3A_45 : memref<256xi32, #tpu.memory_space<vmem>>) semaphore(%run_scoped3A_43 : memref<!tpu.dma_semaphore, #tpu.memory_space<semaphore_mem>>) {add = true}
      %dma_wait3A = arith.constant 0 : i32
      %dma_wait3A_49 = tpu.memref_slice %arg6[%run_scoped3A_12, %dma_wait3A] : memref<40x256xi32, #tpu.memory_space<vmem>> -> memref<1x256xi32, #tpu.memory_space<vmem>>
      %dma_wait3A_50 = tpu.memref_squeeze %dma_wait3A_49 : memref<1x256xi32, #tpu.memory_space<vmem>> -> memref<256xi32, #tpu.memory_space<vmem>>
      %dma_wait3A_51 = arith.constant 0 : i32
      %dma_wait3A_52 = arith.constant 0 : i32
      %dma_wait3A_53 = tpu.memref_slice %arg8[%dma_wait3A_51, %dma_wait3A_52] : memref<40448x32xf32, #tpu.memory_space<vmem_shared>> -> memref<40448x32xf32, #tpu.memory_space<vmem_shared>>
      tpu.wait_indirect_dma semaphore(%run_scoped3A_43 : memref<!tpu.dma_semaphore, #tpu.memory_space<semaphore_mem>>) src(%arg7 : memref<256x32xf32, #tpu.memory_space<vmem>>) dst(%dma_wait3A_53 : memref<40448x32xf32, #tpu.memory_space<vmem_shared>>)
      tpu.yield
    }) : () -> ()
    %run_scoped3A_13 = arith.constant 11 : i32
    "tpu.region"() ({
      %run_scoped3A_43 = tpu.sem_alloc : memref<!tpu.dma_semaphore, #tpu.memory_space<semaphore_mem>>
      %dma_start3A = arith.constant 0 : i32
      %dma_start3A_44 = tpu.memref_slice %arg6[%run_scoped3A_13, %dma_start3A] : memref<40x256xi32, #tpu.memory_space<vmem>> -> memref<1x256xi32, #tpu.memory_space<vmem>>
      %dma_start3A_45 = tpu.memref_squeeze %dma_start3A_44 : memref<1x256xi32, #tpu.memory_space<vmem>> -> memref<256xi32, #tpu.memory_space<vmem>>
      %dma_start3A_46 = arith.constant 0 : i32
      %dma_start3A_47 = arith.constant 0 : i32
      %dma_start3A_48 = tpu.memref_slice %arg8[%dma_start3A_46, %dma_start3A_47] : memref<40448x32xf32, #tpu.memory_space<vmem_shared>> -> memref<40448x32xf32, #tpu.memory_space<vmem_shared>>
      tpu.enqueue_indirect_dma source(%arg7 : memref<256x32xf32, #tpu.memory_space<vmem>>) target(%dma_start3A_48 : memref<40448x32xf32, #tpu.memory_space<vmem_shared>>) offsets(%dma_start3A_45 : memref<256xi32, #tpu.memory_space<vmem>>) semaphore(%run_scoped3A_43 : memref<!tpu.dma_semaphore, #tpu.memory_space<semaphore_mem>>) {add = true}
      %dma_wait3A = arith.constant 0 : i32
      %dma_wait3A_49 = tpu.memref_slice %arg6[%run_scoped3A_13, %dma_wait3A] : memref<40x256xi32, #tpu.memory_space<vmem>> -> memref<1x256xi32, #tpu.memory_space<vmem>>
      %dma_wait3A_50 = tpu.memref_squeeze %dma_wait3A_49 : memref<1x256xi32, #tpu.memory_space<vmem>> -> memref<256xi32, #tpu.memory_space<vmem>>
      %dma_wait3A_51 = arith.constant 0 : i32
      %dma_wait3A_52 = arith.constant 0 : i32
      %dma_wait3A_53 = tpu.memref_slice %arg8[%dma_wait3A_51, %dma_wait3A_52] : memref<40448x32xf32, #tpu.memory_space<vmem_shared>> -> memref<40448x32xf32, #tpu.memory_space<vmem_shared>>
      tpu.wait_indirect_dma semaphore(%run_scoped3A_43 : memref<!tpu.dma_semaphore, #tpu.memory_space<semaphore_mem>>) src(%arg7 : memref<256x32xf32, #tpu.memory_space<vmem>>) dst(%dma_wait3A_53 : memref<40448x32xf32, #tpu.memory_space<vmem_shared>>)
      tpu.yield
    }) : () -> ()
    %run_scoped3A_14 = arith.constant 12 : i32
    "tpu.region"() ({
      %run_scoped3A_43 = tpu.sem_alloc : memref<!tpu.dma_semaphore, #tpu.memory_space<semaphore_mem>>
      %dma_start3A = arith.constant 0 : i32
      %dma_start3A_44 = tpu.memref_slice %arg6[%run_scoped3A_14, %dma_start3A] : memref<40x256xi32, #tpu.memory_space<vmem>> -> memref<1x256xi32, #tpu.memory_space<vmem>>
      %dma_start3A_45 = tpu.memref_squeeze %dma_start3A_44 : memref<1x256xi32, #tpu.memory_space<vmem>> -> memref<256xi32, #tpu.memory_space<vmem>>
      %dma_start3A_46 = arith.constant 0 : i32
      %dma_start3A_47 = arith.constant 0 : i32
      %dma_start3A_48 = tpu.memref_slice %arg8[%dma_start3A_46, %dma_start3A_47] : memref<40448x32xf32, #tpu.memory_space<vmem_shared>> -> memref<40448x32xf32, #tpu.memory_space<vmem_shared>>
      tpu.enqueue_indirect_dma source(%arg7 : memref<256x32xf32, #tpu.memory_space<vmem>>) target(%dma_start3A_48 : memref<40448x32xf32, #tpu.memory_space<vmem_shared>>) offsets(%dma_start3A_45 : memref<256xi32, #tpu.memory_space<vmem>>) semaphore(%run_scoped3A_43 : memref<!tpu.dma_semaphore, #tpu.memory_space<semaphore_mem>>) {add = true}
      %dma_wait3A = arith.constant 0 : i32
      %dma_wait3A_49 = tpu.memref_slice %arg6[%run_scoped3A_14, %dma_wait3A] : memref<40x256xi32, #tpu.memory_space<vmem>> -> memref<1x256xi32, #tpu.memory_space<vmem>>
      %dma_wait3A_50 = tpu.memref_squeeze %dma_wait3A_49 : memref<1x256xi32, #tpu.memory_space<vmem>> -> memref<256xi32, #tpu.memory_space<vmem>>
      %dma_wait3A_51 = arith.constant 0 : i32
      %dma_wait3A_52 = arith.constant 0 : i32
      %dma_wait3A_53 = tpu.memref_slice %arg8[%dma_wait3A_51, %dma_wait3A_52] : memref<40448x32xf32, #tpu.memory_space<vmem_shared>> -> memref<40448x32xf32, #tpu.memory_space<vmem_shared>>
      tpu.wait_indirect_dma semaphore(%run_scoped3A_43 : memref<!tpu.dma_semaphore, #tpu.memory_space<semaphore_mem>>) src(%arg7 : memref<256x32xf32, #tpu.memory_space<vmem>>) dst(%dma_wait3A_53 : memref<40448x32xf32, #tpu.memory_space<vmem_shared>>)
      tpu.yield
    }) : () -> ()
    %run_scoped3A_15 = arith.constant 13 : i32
    "tpu.region"() ({
      %run_scoped3A_43 = tpu.sem_alloc : memref<!tpu.dma_semaphore, #tpu.memory_space<semaphore_mem>>
      %dma_start3A = arith.constant 0 : i32
      %dma_start3A_44 = tpu.memref_slice %arg6[%run_scoped3A_15, %dma_start3A] : memref<40x256xi32, #tpu.memory_space<vmem>> -> memref<1x256xi32, #tpu.memory_space<vmem>>
      %dma_start3A_45 = tpu.memref_squeeze %dma_start3A_44 : memref<1x256xi32, #tpu.memory_space<vmem>> -> memref<256xi32, #tpu.memory_space<vmem>>
      %dma_start3A_46 = arith.constant 0 : i32
      %dma_start3A_47 = arith.constant 0 : i32
      %dma_start3A_48 = tpu.memref_slice %arg8[%dma_start3A_46, %dma_start3A_47] : memref<40448x32xf32, #tpu.memory_space<vmem_shared>> -> memref<40448x32xf32, #tpu.memory_space<vmem_shared>>
      tpu.enqueue_indirect_dma source(%arg7 : memref<256x32xf32, #tpu.memory_space<vmem>>) target(%dma_start3A_48 : memref<40448x32xf32, #tpu.memory_space<vmem_shared>>) offsets(%dma_start3A_45 : memref<256xi32, #tpu.memory_space<vmem>>) semaphore(%run_scoped3A_43 : memref<!tpu.dma_semaphore, #tpu.memory_space<semaphore_mem>>) {add = true}
      %dma_wait3A = arith.constant 0 : i32
      %dma_wait3A_49 = tpu.memref_slice %arg6[%run_scoped3A_15, %dma_wait3A] : memref<40x256xi32, #tpu.memory_space<vmem>> -> memref<1x256xi32, #tpu.memory_space<vmem>>
      %dma_wait3A_50 = tpu.memref_squeeze %dma_wait3A_49 : memref<1x256xi32, #tpu.memory_space<vmem>> -> memref<256xi32, #tpu.memory_space<vmem>>
      %dma_wait3A_51 = arith.constant 0 : i32
      %dma_wait3A_52 = arith.constant 0 : i32
      %dma_wait3A_53 = tpu.memref_slice %arg8[%dma_wait3A_51, %dma_wait3A_52] : memref<40448x32xf32, #tpu.memory_space<vmem_shared>> -> memref<40448x32xf32, #tpu.memory_space<vmem_shared>>
      tpu.wait_indirect_dma semaphore(%run_scoped3A_43 : memref<!tpu.dma_semaphore, #tpu.memory_space<semaphore_mem>>) src(%arg7 : memref<256x32xf32, #tpu.memory_space<vmem>>) dst(%dma_wait3A_53 : memref<40448x32xf32, #tpu.memory_space<vmem_shared>>)
      tpu.yield
    }) : () -> ()
    %run_scoped3A_16 = arith.constant 14 : i32
    "tpu.region"() ({
      %run_scoped3A_43 = tpu.sem_alloc : memref<!tpu.dma_semaphore, #tpu.memory_space<semaphore_mem>>
      %dma_start3A = arith.constant 0 : i32
      %dma_start3A_44 = tpu.memref_slice %arg6[%run_scoped3A_16, %dma_start3A] : memref<40x256xi32, #tpu.memory_space<vmem>> -> memref<1x256xi32, #tpu.memory_space<vmem>>
      %dma_start3A_45 = tpu.memref_squeeze %dma_start3A_44 : memref<1x256xi32, #tpu.memory_space<vmem>> -> memref<256xi32, #tpu.memory_space<vmem>>
      %dma_start3A_46 = arith.constant 0 : i32
      %dma_start3A_47 = arith.constant 0 : i32
      %dma_start3A_48 = tpu.memref_slice %arg8[%dma_start3A_46, %dma_start3A_47] : memref<40448x32xf32, #tpu.memory_space<vmem_shared>> -> memref<40448x32xf32, #tpu.memory_space<vmem_shared>>
      tpu.enqueue_indirect_dma source(%arg7 : memref<256x32xf32, #tpu.memory_space<vmem>>) target(%dma_start3A_48 : memref<40448x32xf32, #tpu.memory_space<vmem_shared>>) offsets(%dma_start3A_45 : memref<256xi32, #tpu.memory_space<vmem>>) semaphore(%run_scoped3A_43 : memref<!tpu.dma_semaphore, #tpu.memory_space<semaphore_mem>>) {add = true}
      %dma_wait3A = arith.constant 0 : i32
      %dma_wait3A_49 = tpu.memref_slice %arg6[%run_scoped3A_16, %dma_wait3A] : memref<40x256xi32, #tpu.memory_space<vmem>> -> memref<1x256xi32, #tpu.memory_space<vmem>>
      %dma_wait3A_50 = tpu.memref_squeeze %dma_wait3A_49 : memref<1x256xi32, #tpu.memory_space<vmem>> -> memref<256xi32, #tpu.memory_space<vmem>>
      %dma_wait3A_51 = arith.constant 0 : i32
      %dma_wait3A_52 = arith.constant 0 : i32
      %dma_wait3A_53 = tpu.memref_slice %arg8[%dma_wait3A_51, %dma_wait3A_52] : memref<40448x32xf32, #tpu.memory_space<vmem_shared>> -> memref<40448x32xf32, #tpu.memory_space<vmem_shared>>
      tpu.wait_indirect_dma semaphore(%run_scoped3A_43 : memref<!tpu.dma_semaphore, #tpu.memory_space<semaphore_mem>>) src(%arg7 : memref<256x32xf32, #tpu.memory_space<vmem>>) dst(%dma_wait3A_53 : memref<40448x32xf32, #tpu.memory_space<vmem_shared>>)
      tpu.yield
    }) : () -> ()
    %run_scoped3A_17 = arith.constant 15 : i32
    "tpu.region"() ({
      %run_scoped3A_43 = tpu.sem_alloc : memref<!tpu.dma_semaphore, #tpu.memory_space<semaphore_mem>>
      %dma_start3A = arith.constant 0 : i32
      %dma_start3A_44 = tpu.memref_slice %arg6[%run_scoped3A_17, %dma_start3A] : memref<40x256xi32, #tpu.memory_space<vmem>> -> memref<1x256xi32, #tpu.memory_space<vmem>>
      %dma_start3A_45 = tpu.memref_squeeze %dma_start3A_44 : memref<1x256xi32, #tpu.memory_space<vmem>> -> memref<256xi32, #tpu.memory_space<vmem>>
      %dma_start3A_46 = arith.constant 0 : i32
      %dma_start3A_47 = arith.constant 0 : i32
      %dma_start3A_48 = tpu.memref_slice %arg8[%dma_start3A_46, %dma_start3A_47] : memref<40448x32xf32, #tpu.memory_space<vmem_shared>> -> memref<40448x32xf32, #tpu.memory_space<vmem_shared>>
      tpu.enqueue_indirect_dma source(%arg7 : memref<256x32xf32, #tpu.memory_space<vmem>>) target(%dma_start3A_48 : memref<40448x32xf32, #tpu.memory_space<vmem_shared>>) offsets(%dma_start3A_45 : memref<256xi32, #tpu.memory_space<vmem>>) semaphore(%run_scoped3A_43 : memref<!tpu.dma_semaphore, #tpu.memory_space<semaphore_mem>>) {add = true}
      %dma_wait3A = arith.constant 0 : i32
      %dma_wait3A_49 = tpu.memref_slice %arg6[%run_scoped3A_17, %dma_wait3A] : memref<40x256xi32, #tpu.memory_space<vmem>> -> memref<1x256xi32, #tpu.memory_space<vmem>>
      %dma_wait3A_50 = tpu.memref_squeeze %dma_wait3A_49 : memref<1x256xi32, #tpu.memory_space<vmem>> -> memref<256xi32, #tpu.memory_space<vmem>>
      %dma_wait3A_51 = arith.constant 0 : i32
      %dma_wait3A_52 = arith.constant 0 : i32
      %dma_wait3A_53 = tpu.memref_slice %arg8[%dma_wait3A_51, %dma_wait3A_52] : memref<40448x32xf32, #tpu.memory_space<vmem_shared>> -> memref<40448x32xf32, #tpu.memory_space<vmem_shared>>
      tpu.wait_indirect_dma semaphore(%run_scoped3A_43 : memref<!tpu.dma_semaphore, #tpu.memory_space<semaphore_mem>>) src(%arg7 : memref<256x32xf32, #tpu.memory_space<vmem>>) dst(%dma_wait3A_53 : memref<40448x32xf32, #tpu.memory_space<vmem_shared>>)
      tpu.yield
    }) : () -> ()
    %run_scoped3A_18 = arith.constant 16 : i32
    "tpu.region"() ({
      %run_scoped3A_43 = tpu.sem_alloc : memref<!tpu.dma_semaphore, #tpu.memory_space<semaphore_mem>>
      %dma_start3A = arith.constant 0 : i32
      %dma_start3A_44 = tpu.memref_slice %arg6[%run_scoped3A_18, %dma_start3A] : memref<40x256xi32, #tpu.memory_space<vmem>> -> memref<1x256xi32, #tpu.memory_space<vmem>>
      %dma_start3A_45 = tpu.memref_squeeze %dma_start3A_44 : memref<1x256xi32, #tpu.memory_space<vmem>> -> memref<256xi32, #tpu.memory_space<vmem>>
      %dma_start3A_46 = arith.constant 0 : i32
      %dma_start3A_47 = arith.constant 0 : i32
      %dma_start3A_48 = tpu.memref_slice %arg8[%dma_start3A_46, %dma_start3A_47] : memref<40448x32xf32, #tpu.memory_space<vmem_shared>> -> memref<40448x32xf32, #tpu.memory_space<vmem_shared>>
      tpu.enqueue_indirect_dma source(%arg7 : memref<256x32xf32, #tpu.memory_space<vmem>>) target(%dma_start3A_48 : memref<40448x32xf32, #tpu.memory_space<vmem_shared>>) offsets(%dma_start3A_45 : memref<256xi32, #tpu.memory_space<vmem>>) semaphore(%run_scoped3A_43 : memref<!tpu.dma_semaphore, #tpu.memory_space<semaphore_mem>>) {add = true}
      %dma_wait3A = arith.constant 0 : i32
      %dma_wait3A_49 = tpu.memref_slice %arg6[%run_scoped3A_18, %dma_wait3A] : memref<40x256xi32, #tpu.memory_space<vmem>> -> memref<1x256xi32, #tpu.memory_space<vmem>>
      %dma_wait3A_50 = tpu.memref_squeeze %dma_wait3A_49 : memref<1x256xi32, #tpu.memory_space<vmem>> -> memref<256xi32, #tpu.memory_space<vmem>>
      %dma_wait3A_51 = arith.constant 0 : i32
      %dma_wait3A_52 = arith.constant 0 : i32
      %dma_wait3A_53 = tpu.memref_slice %arg8[%dma_wait3A_51, %dma_wait3A_52] : memref<40448x32xf32, #tpu.memory_space<vmem_shared>> -> memref<40448x32xf32, #tpu.memory_space<vmem_shared>>
      tpu.wait_indirect_dma semaphore(%run_scoped3A_43 : memref<!tpu.dma_semaphore, #tpu.memory_space<semaphore_mem>>) src(%arg7 : memref<256x32xf32, #tpu.memory_space<vmem>>) dst(%dma_wait3A_53 : memref<40448x32xf32, #tpu.memory_space<vmem_shared>>)
      tpu.yield
    }) : () -> ()
    %run_scoped3A_19 = arith.constant 17 : i32
    "tpu.region"() ({
      %run_scoped3A_43 = tpu.sem_alloc : memref<!tpu.dma_semaphore, #tpu.memory_space<semaphore_mem>>
      %dma_start3A = arith.constant 0 : i32
      %dma_start3A_44 = tpu.memref_slice %arg6[%run_scoped3A_19, %dma_start3A] : memref<40x256xi32, #tpu.memory_space<vmem>> -> memref<1x256xi32, #tpu.memory_space<vmem>>
      %dma_start3A_45 = tpu.memref_squeeze %dma_start3A_44 : memref<1x256xi32, #tpu.memory_space<vmem>> -> memref<256xi32, #tpu.memory_space<vmem>>
      %dma_start3A_46 = arith.constant 0 : i32
      %dma_start3A_47 = arith.constant 0 : i32
      %dma_start3A_48 = tpu.memref_slice %arg8[%dma_start3A_46, %dma_start3A_47] : memref<40448x32xf32, #tpu.memory_space<vmem_shared>> -> memref<40448x32xf32, #tpu.memory_space<vmem_shared>>
      tpu.enqueue_indirect_dma source(%arg7 : memref<256x32xf32, #tpu.memory_space<vmem>>) target(%dma_start3A_48 : memref<40448x32xf32, #tpu.memory_space<vmem_shared>>) offsets(%dma_start3A_45 : memref<256xi32, #tpu.memory_space<vmem>>) semaphore(%run_scoped3A_43 : memref<!tpu.dma_semaphore, #tpu.memory_space<semaphore_mem>>) {add = true}
      %dma_wait3A = arith.constant 0 : i32
      %dma_wait3A_49 = tpu.memref_slice %arg6[%run_scoped3A_19, %dma_wait3A] : memref<40x256xi32, #tpu.memory_space<vmem>> -> memref<1x256xi32, #tpu.memory_space<vmem>>
      %dma_wait3A_50 = tpu.memref_squeeze %dma_wait3A_49 : memref<1x256xi32, #tpu.memory_space<vmem>> -> memref<256xi32, #tpu.memory_space<vmem>>
      %dma_wait3A_51 = arith.constant 0 : i32
      %dma_wait3A_52 = arith.constant 0 : i32
      %dma_wait3A_53 = tpu.memref_slice %arg8[%dma_wait3A_51, %dma_wait3A_52] : memref<40448x32xf32, #tpu.memory_space<vmem_shared>> -> memref<40448x32xf32, #tpu.memory_space<vmem_shared>>
      tpu.wait_indirect_dma semaphore(%run_scoped3A_43 : memref<!tpu.dma_semaphore, #tpu.memory_space<semaphore_mem>>) src(%arg7 : memref<256x32xf32, #tpu.memory_space<vmem>>) dst(%dma_wait3A_53 : memref<40448x32xf32, #tpu.memory_space<vmem_shared>>)
      tpu.yield
    }) : () -> ()
    %run_scoped3A_20 = arith.constant 18 : i32
    "tpu.region"() ({
      %run_scoped3A_43 = tpu.sem_alloc : memref<!tpu.dma_semaphore, #tpu.memory_space<semaphore_mem>>
      %dma_start3A = arith.constant 0 : i32
      %dma_start3A_44 = tpu.memref_slice %arg6[%run_scoped3A_20, %dma_start3A] : memref<40x256xi32, #tpu.memory_space<vmem>> -> memref<1x256xi32, #tpu.memory_space<vmem>>
      %dma_start3A_45 = tpu.memref_squeeze %dma_start3A_44 : memref<1x256xi32, #tpu.memory_space<vmem>> -> memref<256xi32, #tpu.memory_space<vmem>>
      %dma_start3A_46 = arith.constant 0 : i32
      %dma_start3A_47 = arith.constant 0 : i32
      %dma_start3A_48 = tpu.memref_slice %arg8[%dma_start3A_46, %dma_start3A_47] : memref<40448x32xf32, #tpu.memory_space<vmem_shared>> -> memref<40448x32xf32, #tpu.memory_space<vmem_shared>>
      tpu.enqueue_indirect_dma source(%arg7 : memref<256x32xf32, #tpu.memory_space<vmem>>) target(%dma_start3A_48 : memref<40448x32xf32, #tpu.memory_space<vmem_shared>>) offsets(%dma_start3A_45 : memref<256xi32, #tpu.memory_space<vmem>>) semaphore(%run_scoped3A_43 : memref<!tpu.dma_semaphore, #tpu.memory_space<semaphore_mem>>) {add = true}
      %dma_wait3A = arith.constant 0 : i32
      %dma_wait3A_49 = tpu.memref_slice %arg6[%run_scoped3A_20, %dma_wait3A] : memref<40x256xi32, #tpu.memory_space<vmem>> -> memref<1x256xi32, #tpu.memory_space<vmem>>
      %dma_wait3A_50 = tpu.memref_squeeze %dma_wait3A_49 : memref<1x256xi32, #tpu.memory_space<vmem>> -> memref<256xi32, #tpu.memory_space<vmem>>
      %dma_wait3A_51 = arith.constant 0 : i32
      %dma_wait3A_52 = arith.constant 0 : i32
      %dma_wait3A_53 = tpu.memref_slice %arg8[%dma_wait3A_51, %dma_wait3A_52] : memref<40448x32xf32, #tpu.memory_space<vmem_shared>> -> memref<40448x32xf32, #tpu.memory_space<vmem_shared>>
      tpu.wait_indirect_dma semaphore(%run_scoped3A_43 : memref<!tpu.dma_semaphore, #tpu.memory_space<semaphore_mem>>) src(%arg7 : memref<256x32xf32, #tpu.memory_space<vmem>>) dst(%dma_wait3A_53 : memref<40448x32xf32, #tpu.memory_space<vmem_shared>>)
      tpu.yield
    }) : () -> ()
    %run_scoped3A_21 = arith.constant 19 : i32
    "tpu.region"() ({
      %run_scoped3A_43 = tpu.sem_alloc : memref<!tpu.dma_semaphore, #tpu.memory_space<semaphore_mem>>
      %dma_start3A = arith.constant 0 : i32
      %dma_start3A_44 = tpu.memref_slice %arg6[%run_scoped3A_21, %dma_start3A] : memref<40x256xi32, #tpu.memory_space<vmem>> -> memref<1x256xi32, #tpu.memory_space<vmem>>
      %dma_start3A_45 = tpu.memref_squeeze %dma_start3A_44 : memref<1x256xi32, #tpu.memory_space<vmem>> -> memref<256xi32, #tpu.memory_space<vmem>>
      %dma_start3A_46 = arith.constant 0 : i32
      %dma_start3A_47 = arith.constant 0 : i32
      %dma_start3A_48 = tpu.memref_slice %arg8[%dma_start3A_46, %dma_start3A_47] : memref<40448x32xf32, #tpu.memory_space<vmem_shared>> -> memref<40448x32xf32, #tpu.memory_space<vmem_shared>>
      tpu.enqueue_indirect_dma source(%arg7 : memref<256x32xf32, #tpu.memory_space<vmem>>) target(%dma_start3A_48 : memref<40448x32xf32, #tpu.memory_space<vmem_shared>>) offsets(%dma_start3A_45 : memref<256xi32, #tpu.memory_space<vmem>>) semaphore(%run_scoped3A_43 : memref<!tpu.dma_semaphore, #tpu.memory_space<semaphore_mem>>) {add = true}
      %dma_wait3A = arith.constant 0 : i32
      %dma_wait3A_49 = tpu.memref_slice %arg6[%run_scoped3A_21, %dma_wait3A] : memref<40x256xi32, #tpu.memory_space<vmem>> -> memref<1x256xi32, #tpu.memory_space<vmem>>
      %dma_wait3A_50 = tpu.memref_squeeze %dma_wait3A_49 : memref<1x256xi32, #tpu.memory_space<vmem>> -> memref<256xi32, #tpu.memory_space<vmem>>
      %dma_wait3A_51 = arith.constant 0 : i32
      %dma_wait3A_52 = arith.constant 0 : i32
      %dma_wait3A_53 = tpu.memref_slice %arg8[%dma_wait3A_51, %dma_wait3A_52] : memref<40448x32xf32, #tpu.memory_space<vmem_shared>> -> memref<40448x32xf32, #tpu.memory_space<vmem_shared>>
      tpu.wait_indirect_dma semaphore(%run_scoped3A_43 : memref<!tpu.dma_semaphore, #tpu.memory_space<semaphore_mem>>) src(%arg7 : memref<256x32xf32, #tpu.memory_space<vmem>>) dst(%dma_wait3A_53 : memref<40448x32xf32, #tpu.memory_space<vmem_shared>>)
      tpu.yield
    }) : () -> ()
    %run_scoped3A_22 = arith.constant 20 : i32
    "tpu.region"() ({
      %run_scoped3A_43 = tpu.sem_alloc : memref<!tpu.dma_semaphore, #tpu.memory_space<semaphore_mem>>
      %dma_start3A = arith.constant 0 : i32
      %dma_start3A_44 = tpu.memref_slice %arg6[%run_scoped3A_22, %dma_start3A] : memref<40x256xi32, #tpu.memory_space<vmem>> -> memref<1x256xi32, #tpu.memory_space<vmem>>
      %dma_start3A_45 = tpu.memref_squeeze %dma_start3A_44 : memref<1x256xi32, #tpu.memory_space<vmem>> -> memref<256xi32, #tpu.memory_space<vmem>>
      %dma_start3A_46 = arith.constant 0 : i32
      %dma_start3A_47 = arith.constant 0 : i32
      %dma_start3A_48 = tpu.memref_slice %arg8[%dma_start3A_46, %dma_start3A_47] : memref<40448x32xf32, #tpu.memory_space<vmem_shared>> -> memref<40448x32xf32, #tpu.memory_space<vmem_shared>>
      tpu.enqueue_indirect_dma source(%arg7 : memref<256x32xf32, #tpu.memory_space<vmem>>) target(%dma_start3A_48 : memref<40448x32xf32, #tpu.memory_space<vmem_shared>>) offsets(%dma_start3A_45 : memref<256xi32, #tpu.memory_space<vmem>>) semaphore(%run_scoped3A_43 : memref<!tpu.dma_semaphore, #tpu.memory_space<semaphore_mem>>) {add = true}
      %dma_wait3A = arith.constant 0 : i32
      %dma_wait3A_49 = tpu.memref_slice %arg6[%run_scoped3A_22, %dma_wait3A] : memref<40x256xi32, #tpu.memory_space<vmem>> -> memref<1x256xi32, #tpu.memory_space<vmem>>
      %dma_wait3A_50 = tpu.memref_squeeze %dma_wait3A_49 : memref<1x256xi32, #tpu.memory_space<vmem>> -> memref<256xi32, #tpu.memory_space<vmem>>
      %dma_wait3A_51 = arith.constant 0 : i32
      %dma_wait3A_52 = arith.constant 0 : i32
      %dma_wait3A_53 = tpu.memref_slice %arg8[%dma_wait3A_51, %dma_wait3A_52] : memref<40448x32xf32, #tpu.memory_space<vmem_shared>> -> memref<40448x32xf32, #tpu.memory_space<vmem_shared>>
      tpu.wait_indirect_dma semaphore(%run_scoped3A_43 : memref<!tpu.dma_semaphore, #tpu.memory_space<semaphore_mem>>) src(%arg7 : memref<256x32xf32, #tpu.memory_space<vmem>>) dst(%dma_wait3A_53 : memref<40448x32xf32, #tpu.memory_space<vmem_shared>>)
      tpu.yield
    }) : () -> ()
    %run_scoped3A_23 = arith.constant 21 : i32
    "tpu.region"() ({
      %run_scoped3A_43 = tpu.sem_alloc : memref<!tpu.dma_semaphore, #tpu.memory_space<semaphore_mem>>
      %dma_start3A = arith.constant 0 : i32
      %dma_start3A_44 = tpu.memref_slice %arg6[%run_scoped3A_23, %dma_start3A] : memref<40x256xi32, #tpu.memory_space<vmem>> -> memref<1x256xi32, #tpu.memory_space<vmem>>
      %dma_start3A_45 = tpu.memref_squeeze %dma_start3A_44 : memref<1x256xi32, #tpu.memory_space<vmem>> -> memref<256xi32, #tpu.memory_space<vmem>>
      %dma_start3A_46 = arith.constant 0 : i32
      %dma_start3A_47 = arith.constant 0 : i32
      %dma_start3A_48 = tpu.memref_slice %arg8[%dma_start3A_46, %dma_start3A_47] : memref<40448x32xf32, #tpu.memory_space<vmem_shared>> -> memref<40448x32xf32, #tpu.memory_space<vmem_shared>>
      tpu.enqueue_indirect_dma source(%arg7 : memref<256x32xf32, #tpu.memory_space<vmem>>) target(%dma_start3A_48 : memref<40448x32xf32, #tpu.memory_space<vmem_shared>>) offsets(%dma_start3A_45 : memref<256xi32, #tpu.memory_space<vmem>>) semaphore(%run_scoped3A_43 : memref<!tpu.dma_semaphore, #tpu.memory_space<semaphore_mem>>) {add = true}
      %dma_wait3A = arith.constant 0 : i32
      %dma_wait3A_49 = tpu.memref_slice %arg6[%run_scoped3A_23, %dma_wait3A] : memref<40x256xi32, #tpu.memory_space<vmem>> -> memref<1x256xi32, #tpu.memory_space<vmem>>
      %dma_wait3A_50 = tpu.memref_squeeze %dma_wait3A_49 : memref<1x256xi32, #tpu.memory_space<vmem>> -> memref<256xi32, #tpu.memory_space<vmem>>
      %dma_wait3A_51 = arith.constant 0 : i32
      %dma_wait3A_52 = arith.constant 0 : i32
      %dma_wait3A_53 = tpu.memref_slice %arg8[%dma_wait3A_51, %dma_wait3A_52] : memref<40448x32xf32, #tpu.memory_space<vmem_shared>> -> memref<40448x32xf32, #tpu.memory_space<vmem_shared>>
      tpu.wait_indirect_dma semaphore(%run_scoped3A_43 : memref<!tpu.dma_semaphore, #tpu.memory_space<semaphore_mem>>) src(%arg7 : memref<256x32xf32, #tpu.memory_space<vmem>>) dst(%dma_wait3A_53 : memref<40448x32xf32, #tpu.memory_space<vmem_shared>>)
      tpu.yield
    }) : () -> ()
    %run_scoped3A_24 = arith.constant 22 : i32
    "tpu.region"() ({
      %run_scoped3A_43 = tpu.sem_alloc : memref<!tpu.dma_semaphore, #tpu.memory_space<semaphore_mem>>
      %dma_start3A = arith.constant 0 : i32
      %dma_start3A_44 = tpu.memref_slice %arg6[%run_scoped3A_24, %dma_start3A] : memref<40x256xi32, #tpu.memory_space<vmem>> -> memref<1x256xi32, #tpu.memory_space<vmem>>
      %dma_start3A_45 = tpu.memref_squeeze %dma_start3A_44 : memref<1x256xi32, #tpu.memory_space<vmem>> -> memref<256xi32, #tpu.memory_space<vmem>>
      %dma_start3A_46 = arith.constant 0 : i32
      %dma_start3A_47 = arith.constant 0 : i32
      %dma_start3A_48 = tpu.memref_slice %arg8[%dma_start3A_46, %dma_start3A_47] : memref<40448x32xf32, #tpu.memory_space<vmem_shared>> -> memref<40448x32xf32, #tpu.memory_space<vmem_shared>>
      tpu.enqueue_indirect_dma source(%arg7 : memref<256x32xf32, #tpu.memory_space<vmem>>) target(%dma_start3A_48 : memref<40448x32xf32, #tpu.memory_space<vmem_shared>>) offsets(%dma_start3A_45 : memref<256xi32, #tpu.memory_space<vmem>>) semaphore(%run_scoped3A_43 : memref<!tpu.dma_semaphore, #tpu.memory_space<semaphore_mem>>) {add = true}
      %dma_wait3A = arith.constant 0 : i32
      %dma_wait3A_49 = tpu.memref_slice %arg6[%run_scoped3A_24, %dma_wait3A] : memref<40x256xi32, #tpu.memory_space<vmem>> -> memref<1x256xi32, #tpu.memory_space<vmem>>
      %dma_wait3A_50 = tpu.memref_squeeze %dma_wait3A_49 : memref<1x256xi32, #tpu.memory_space<vmem>> -> memref<256xi32, #tpu.memory_space<vmem>>
      %dma_wait3A_51 = arith.constant 0 : i32
      %dma_wait3A_52 = arith.constant 0 : i32
      %dma_wait3A_53 = tpu.memref_slice %arg8[%dma_wait3A_51, %dma_wait3A_52] : memref<40448x32xf32, #tpu.memory_space<vmem_shared>> -> memref<40448x32xf32, #tpu.memory_space<vmem_shared>>
      tpu.wait_indirect_dma semaphore(%run_scoped3A_43 : memref<!tpu.dma_semaphore, #tpu.memory_space<semaphore_mem>>) src(%arg7 : memref<256x32xf32, #tpu.memory_space<vmem>>) dst(%dma_wait3A_53 : memref<40448x32xf32, #tpu.memory_space<vmem_shared>>)
      tpu.yield
    }) : () -> ()
    %run_scoped3A_25 = arith.constant 23 : i32
    "tpu.region"() ({
      %run_scoped3A_43 = tpu.sem_alloc : memref<!tpu.dma_semaphore, #tpu.memory_space<semaphore_mem>>
      %dma_start3A = arith.constant 0 : i32
      %dma_start3A_44 = tpu.memref_slice %arg6[%run_scoped3A_25, %dma_start3A] : memref<40x256xi32, #tpu.memory_space<vmem>> -> memref<1x256xi32, #tpu.memory_space<vmem>>
      %dma_start3A_45 = tpu.memref_squeeze %dma_start3A_44 : memref<1x256xi32, #tpu.memory_space<vmem>> -> memref<256xi32, #tpu.memory_space<vmem>>
      %dma_start3A_46 = arith.constant 0 : i32
      %dma_start3A_47 = arith.constant 0 : i32
      %dma_start3A_48 = tpu.memref_slice %arg8[%dma_start3A_46, %dma_start3A_47] : memref<40448x32xf32, #tpu.memory_space<vmem_shared>> -> memref<40448x32xf32, #tpu.memory_space<vmem_shared>>
      tpu.enqueue_indirect_dma source(%arg7 : memref<256x32xf32, #tpu.memory_space<vmem>>) target(%dma_start3A_48 : memref<40448x32xf32, #tpu.memory_space<vmem_shared>>) offsets(%dma_start3A_45 : memref<256xi32, #tpu.memory_space<vmem>>) semaphore(%run_scoped3A_43 : memref<!tpu.dma_semaphore, #tpu.memory_space<semaphore_mem>>) {add = true}
      %dma_wait3A = arith.constant 0 : i32
      %dma_wait3A_49 = tpu.memref_slice %arg6[%run_scoped3A_25, %dma_wait3A] : memref<40x256xi32, #tpu.memory_space<vmem>> -> memref<1x256xi32, #tpu.memory_space<vmem>>
      %dma_wait3A_50 = tpu.memref_squeeze %dma_wait3A_49 : memref<1x256xi32, #tpu.memory_space<vmem>> -> memref<256xi32, #tpu.memory_space<vmem>>
      %dma_wait3A_51 = arith.constant 0 : i32
      %dma_wait3A_52 = arith.constant 0 : i32
      %dma_wait3A_53 = tpu.memref_slice %arg8[%dma_wait3A_51, %dma_wait3A_52] : memref<40448x32xf32, #tpu.memory_space<vmem_shared>> -> memref<40448x32xf32, #tpu.memory_space<vmem_shared>>
      tpu.wait_indirect_dma semaphore(%run_scoped3A_43 : memref<!tpu.dma_semaphore, #tpu.memory_space<semaphore_mem>>) src(%arg7 : memref<256x32xf32, #tpu.memory_space<vmem>>) dst(%dma_wait3A_53 : memref<40448x32xf32, #tpu.memory_space<vmem_shared>>)
      tpu.yield
    }) : () -> ()
    %run_scoped3A_26 = arith.constant 24 : i32
    "tpu.region"() ({
      %run_scoped3A_43 = tpu.sem_alloc : memref<!tpu.dma_semaphore, #tpu.memory_space<semaphore_mem>>
      %dma_start3A = arith.constant 0 : i32
      %dma_start3A_44 = tpu.memref_slice %arg6[%run_scoped3A_26, %dma_start3A] : memref<40x256xi32, #tpu.memory_space<vmem>> -> memref<1x256xi32, #tpu.memory_space<vmem>>
      %dma_start3A_45 = tpu.memref_squeeze %dma_start3A_44 : memref<1x256xi32, #tpu.memory_space<vmem>> -> memref<256xi32, #tpu.memory_space<vmem>>
      %dma_start3A_46 = arith.constant 0 : i32
      %dma_start3A_47 = arith.constant 0 : i32
      %dma_start3A_48 = tpu.memref_slice %arg8[%dma_start3A_46, %dma_start3A_47] : memref<40448x32xf32, #tpu.memory_space<vmem_shared>> -> memref<40448x32xf32, #tpu.memory_space<vmem_shared>>
      tpu.enqueue_indirect_dma source(%arg7 : memref<256x32xf32, #tpu.memory_space<vmem>>) target(%dma_start3A_48 : memref<40448x32xf32, #tpu.memory_space<vmem_shared>>) offsets(%dma_start3A_45 : memref<256xi32, #tpu.memory_space<vmem>>) semaphore(%run_scoped3A_43 : memref<!tpu.dma_semaphore, #tpu.memory_space<semaphore_mem>>) {add = true}
      %dma_wait3A = arith.constant 0 : i32
      %dma_wait3A_49 = tpu.memref_slice %arg6[%run_scoped3A_26, %dma_wait3A] : memref<40x256xi32, #tpu.memory_space<vmem>> -> memref<1x256xi32, #tpu.memory_space<vmem>>
      %dma_wait3A_50 = tpu.memref_squeeze %dma_wait3A_49 : memref<1x256xi32, #tpu.memory_space<vmem>> -> memref<256xi32, #tpu.memory_space<vmem>>
      %dma_wait3A_51 = arith.constant 0 : i32
      %dma_wait3A_52 = arith.constant 0 : i32
      %dma_wait3A_53 = tpu.memref_slice %arg8[%dma_wait3A_51, %dma_wait3A_52] : memref<40448x32xf32, #tpu.memory_space<vmem_shared>> -> memref<40448x32xf32, #tpu.memory_space<vmem_shared>>
      tpu.wait_indirect_dma semaphore(%run_scoped3A_43 : memref<!tpu.dma_semaphore, #tpu.memory_space<semaphore_mem>>) src(%arg7 : memref<256x32xf32, #tpu.memory_space<vmem>>) dst(%dma_wait3A_53 : memref<40448x32xf32, #tpu.memory_space<vmem_shared>>)
      tpu.yield
    }) : () -> ()
    %run_scoped3A_27 = arith.constant 25 : i32
    "tpu.region"() ({
      %run_scoped3A_43 = tpu.sem_alloc : memref<!tpu.dma_semaphore, #tpu.memory_space<semaphore_mem>>
      %dma_start3A = arith.constant 0 : i32
      %dma_start3A_44 = tpu.memref_slice %arg6[%run_scoped3A_27, %dma_start3A] : memref<40x256xi32, #tpu.memory_space<vmem>> -> memref<1x256xi32, #tpu.memory_space<vmem>>
      %dma_start3A_45 = tpu.memref_squeeze %dma_start3A_44 : memref<1x256xi32, #tpu.memory_space<vmem>> -> memref<256xi32, #tpu.memory_space<vmem>>
      %dma_start3A_46 = arith.constant 0 : i32
      %dma_start3A_47 = arith.constant 0 : i32
      %dma_start3A_48 = tpu.memref_slice %arg8[%dma_start3A_46, %dma_start3A_47] : memref<40448x32xf32, #tpu.memory_space<vmem_shared>> -> memref<40448x32xf32, #tpu.memory_space<vmem_shared>>
      tpu.enqueue_indirect_dma source(%arg7 : memref<256x32xf32, #tpu.memory_space<vmem>>) target(%dma_start3A_48 : memref<40448x32xf32, #tpu.memory_space<vmem_shared>>) offsets(%dma_start3A_45 : memref<256xi32, #tpu.memory_space<vmem>>) semaphore(%run_scoped3A_43 : memref<!tpu.dma_semaphore, #tpu.memory_space<semaphore_mem>>) {add = true}
      %dma_wait3A = arith.constant 0 : i32
      %dma_wait3A_49 = tpu.memref_slice %arg6[%run_scoped3A_27, %dma_wait3A] : memref<40x256xi32, #tpu.memory_space<vmem>> -> memref<1x256xi32, #tpu.memory_space<vmem>>
      %dma_wait3A_50 = tpu.memref_squeeze %dma_wait3A_49 : memref<1x256xi32, #tpu.memory_space<vmem>> -> memref<256xi32, #tpu.memory_space<vmem>>
      %dma_wait3A_51 = arith.constant 0 : i32
      %dma_wait3A_52 = arith.constant 0 : i32
      %dma_wait3A_53 = tpu.memref_slice %arg8[%dma_wait3A_51, %dma_wait3A_52] : memref<40448x32xf32, #tpu.memory_space<vmem_shared>> -> memref<40448x32xf32, #tpu.memory_space<vmem_shared>>
      tpu.wait_indirect_dma semaphore(%run_scoped3A_43 : memref<!tpu.dma_semaphore, #tpu.memory_space<semaphore_mem>>) src(%arg7 : memref<256x32xf32, #tpu.memory_space<vmem>>) dst(%dma_wait3A_53 : memref<40448x32xf32, #tpu.memory_space<vmem_shared>>)
      tpu.yield
    }) : () -> ()
    %run_scoped3A_28 = arith.constant 26 : i32
    "tpu.region"() ({
      %run_scoped3A_43 = tpu.sem_alloc : memref<!tpu.dma_semaphore, #tpu.memory_space<semaphore_mem>>
      %dma_start3A = arith.constant 0 : i32
      %dma_start3A_44 = tpu.memref_slice %arg6[%run_scoped3A_28, %dma_start3A] : memref<40x256xi32, #tpu.memory_space<vmem>> -> memref<1x256xi32, #tpu.memory_space<vmem>>
      %dma_start3A_45 = tpu.memref_squeeze %dma_start3A_44 : memref<1x256xi32, #tpu.memory_space<vmem>> -> memref<256xi32, #tpu.memory_space<vmem>>
      %dma_start3A_46 = arith.constant 0 : i32
      %dma_start3A_47 = arith.constant 0 : i32
      %dma_start3A_48 = tpu.memref_slice %arg8[%dma_start3A_46, %dma_start3A_47] : memref<40448x32xf32, #tpu.memory_space<vmem_shared>> -> memref<40448x32xf32, #tpu.memory_space<vmem_shared>>
      tpu.enqueue_indirect_dma source(%arg7 : memref<256x32xf32, #tpu.memory_space<vmem>>) target(%dma_start3A_48 : memref<40448x32xf32, #tpu.memory_space<vmem_shared>>) offsets(%dma_start3A_45 : memref<256xi32, #tpu.memory_space<vmem>>) semaphore(%run_scoped3A_43 : memref<!tpu.dma_semaphore, #tpu.memory_space<semaphore_mem>>) {add = true}
      %dma_wait3A = arith.constant 0 : i32
      %dma_wait3A_49 = tpu.memref_slice %arg6[%run_scoped3A_28, %dma_wait3A] : memref<40x256xi32, #tpu.memory_space<vmem>> -> memref<1x256xi32, #tpu.memory_space<vmem>>
      %dma_wait3A_50 = tpu.memref_squeeze %dma_wait3A_49 : memref<1x256xi32, #tpu.memory_space<vmem>> -> memref<256xi32, #tpu.memory_space<vmem>>
      %dma_wait3A_51 = arith.constant 0 : i32
      %dma_wait3A_52 = arith.constant 0 : i32
      %dma_wait3A_53 = tpu.memref_slice %arg8[%dma_wait3A_51, %dma_wait3A_52] : memref<40448x32xf32, #tpu.memory_space<vmem_shared>> -> memref<40448x32xf32, #tpu.memory_space<vmem_shared>>
      tpu.wait_indirect_dma semaphore(%run_scoped3A_43 : memref<!tpu.dma_semaphore, #tpu.memory_space<semaphore_mem>>) src(%arg7 : memref<256x32xf32, #tpu.memory_space<vmem>>) dst(%dma_wait3A_53 : memref<40448x32xf32, #tpu.memory_space<vmem_shared>>)
      tpu.yield
    }) : () -> ()
    %run_scoped3A_29 = arith.constant 27 : i32
    "tpu.region"() ({
      %run_scoped3A_43 = tpu.sem_alloc : memref<!tpu.dma_semaphore, #tpu.memory_space<semaphore_mem>>
      %dma_start3A = arith.constant 0 : i32
      %dma_start3A_44 = tpu.memref_slice %arg6[%run_scoped3A_29, %dma_start3A] : memref<40x256xi32, #tpu.memory_space<vmem>> -> memref<1x256xi32, #tpu.memory_space<vmem>>
      %dma_start3A_45 = tpu.memref_squeeze %dma_start3A_44 : memref<1x256xi32, #tpu.memory_space<vmem>> -> memref<256xi32, #tpu.memory_space<vmem>>
      %dma_start3A_46 = arith.constant 0 : i32
      %dma_start3A_47 = arith.constant 0 : i32
      %dma_start3A_48 = tpu.memref_slice %arg8[%dma_start3A_46, %dma_start3A_47] : memref<40448x32xf32, #tpu.memory_space<vmem_shared>> -> memref<40448x32xf32, #tpu.memory_space<vmem_shared>>
      tpu.enqueue_indirect_dma source(%arg7 : memref<256x32xf32, #tpu.memory_space<vmem>>) target(%dma_start3A_48 : memref<40448x32xf32, #tpu.memory_space<vmem_shared>>) offsets(%dma_start3A_45 : memref<256xi32, #tpu.memory_space<vmem>>) semaphore(%run_scoped3A_43 : memref<!tpu.dma_semaphore, #tpu.memory_space<semaphore_mem>>) {add = true}
      %dma_wait3A = arith.constant 0 : i32
      %dma_wait3A_49 = tpu.memref_slice %arg6[%run_scoped3A_29, %dma_wait3A] : memref<40x256xi32, #tpu.memory_space<vmem>> -> memref<1x256xi32, #tpu.memory_space<vmem>>
      %dma_wait3A_50 = tpu.memref_squeeze %dma_wait3A_49 : memref<1x256xi32, #tpu.memory_space<vmem>> -> memref<256xi32, #tpu.memory_space<vmem>>
      %dma_wait3A_51 = arith.constant 0 : i32
      %dma_wait3A_52 = arith.constant 0 : i32
      %dma_wait3A_53 = tpu.memref_slice %arg8[%dma_wait3A_51, %dma_wait3A_52] : memref<40448x32xf32, #tpu.memory_space<vmem_shared>> -> memref<40448x32xf32, #tpu.memory_space<vmem_shared>>
      tpu.wait_indirect_dma semaphore(%run_scoped3A_43 : memref<!tpu.dma_semaphore, #tpu.memory_space<semaphore_mem>>) src(%arg7 : memref<256x32xf32, #tpu.memory_space<vmem>>) dst(%dma_wait3A_53 : memref<40448x32xf32, #tpu.memory_space<vmem_shared>>)
      tpu.yield
    }) : () -> ()
    %run_scoped3A_30 = arith.constant 28 : i32
    "tpu.region"() ({
      %run_scoped3A_43 = tpu.sem_alloc : memref<!tpu.dma_semaphore, #tpu.memory_space<semaphore_mem>>
      %dma_start3A = arith.constant 0 : i32
      %dma_start3A_44 = tpu.memref_slice %arg6[%run_scoped3A_30, %dma_start3A] : memref<40x256xi32, #tpu.memory_space<vmem>> -> memref<1x256xi32, #tpu.memory_space<vmem>>
      %dma_start3A_45 = tpu.memref_squeeze %dma_start3A_44 : memref<1x256xi32, #tpu.memory_space<vmem>> -> memref<256xi32, #tpu.memory_space<vmem>>
      %dma_start3A_46 = arith.constant 0 : i32
      %dma_start3A_47 = arith.constant 0 : i32
      %dma_start3A_48 = tpu.memref_slice %arg8[%dma_start3A_46, %dma_start3A_47] : memref<40448x32xf32, #tpu.memory_space<vmem_shared>> -> memref<40448x32xf32, #tpu.memory_space<vmem_shared>>
      tpu.enqueue_indirect_dma source(%arg7 : memref<256x32xf32, #tpu.memory_space<vmem>>) target(%dma_start3A_48 : memref<40448x32xf32, #tpu.memory_space<vmem_shared>>) offsets(%dma_start3A_45 : memref<256xi32, #tpu.memory_space<vmem>>) semaphore(%run_scoped3A_43 : memref<!tpu.dma_semaphore, #tpu.memory_space<semaphore_mem>>) {add = true}
      %dma_wait3A = arith.constant 0 : i32
      %dma_wait3A_49 = tpu.memref_slice %arg6[%run_scoped3A_30, %dma_wait3A] : memref<40x256xi32, #tpu.memory_space<vmem>> -> memref<1x256xi32, #tpu.memory_space<vmem>>
      %dma_wait3A_50 = tpu.memref_squeeze %dma_wait3A_49 : memref<1x256xi32, #tpu.memory_space<vmem>> -> memref<256xi32, #tpu.memory_space<vmem>>
      %dma_wait3A_51 = arith.constant 0 : i32
      %dma_wait3A_52 = arith.constant 0 : i32
      %dma_wait3A_53 = tpu.memref_slice %arg8[%dma_wait3A_51, %dma_wait3A_52] : memref<40448x32xf32, #tpu.memory_space<vmem_shared>> -> memref<40448x32xf32, #tpu.memory_space<vmem_shared>>
      tpu.wait_indirect_dma semaphore(%run_scoped3A_43 : memref<!tpu.dma_semaphore, #tpu.memory_space<semaphore_mem>>) src(%arg7 : memref<256x32xf32, #tpu.memory_space<vmem>>) dst(%dma_wait3A_53 : memref<40448x32xf32, #tpu.memory_space<vmem_shared>>)
      tpu.yield
    }) : () -> ()
    %run_scoped3A_31 = arith.constant 29 : i32
    "tpu.region"() ({
      %run_scoped3A_43 = tpu.sem_alloc : memref<!tpu.dma_semaphore, #tpu.memory_space<semaphore_mem>>
      %dma_start3A = arith.constant 0 : i32
      %dma_start3A_44 = tpu.memref_slice %arg6[%run_scoped3A_31, %dma_start3A] : memref<40x256xi32, #tpu.memory_space<vmem>> -> memref<1x256xi32, #tpu.memory_space<vmem>>
      %dma_start3A_45 = tpu.memref_squeeze %dma_start3A_44 : memref<1x256xi32, #tpu.memory_space<vmem>> -> memref<256xi32, #tpu.memory_space<vmem>>
      %dma_start3A_46 = arith.constant 0 : i32
      %dma_start3A_47 = arith.constant 0 : i32
      %dma_start3A_48 = tpu.memref_slice %arg8[%dma_start3A_46, %dma_start3A_47] : memref<40448x32xf32, #tpu.memory_space<vmem_shared>> -> memref<40448x32xf32, #tpu.memory_space<vmem_shared>>
      tpu.enqueue_indirect_dma source(%arg7 : memref<256x32xf32, #tpu.memory_space<vmem>>) target(%dma_start3A_48 : memref<40448x32xf32, #tpu.memory_space<vmem_shared>>) offsets(%dma_start3A_45 : memref<256xi32, #tpu.memory_space<vmem>>) semaphore(%run_scoped3A_43 : memref<!tpu.dma_semaphore, #tpu.memory_space<semaphore_mem>>) {add = true}
      %dma_wait3A = arith.constant 0 : i32
      %dma_wait3A_49 = tpu.memref_slice %arg6[%run_scoped3A_31, %dma_wait3A] : memref<40x256xi32, #tpu.memory_space<vmem>> -> memref<1x256xi32, #tpu.memory_space<vmem>>
      %dma_wait3A_50 = tpu.memref_squeeze %dma_wait3A_49 : memref<1x256xi32, #tpu.memory_space<vmem>> -> memref<256xi32, #tpu.memory_space<vmem>>
      %dma_wait3A_51 = arith.constant 0 : i32
      %dma_wait3A_52 = arith.constant 0 : i32
      %dma_wait3A_53 = tpu.memref_slice %arg8[%dma_wait3A_51, %dma_wait3A_52] : memref<40448x32xf32, #tpu.memory_space<vmem_shared>> -> memref<40448x32xf32, #tpu.memory_space<vmem_shared>>
      tpu.wait_indirect_dma semaphore(%run_scoped3A_43 : memref<!tpu.dma_semaphore, #tpu.memory_space<semaphore_mem>>) src(%arg7 : memref<256x32xf32, #tpu.memory_space<vmem>>) dst(%dma_wait3A_53 : memref<40448x32xf32, #tpu.memory_space<vmem_shared>>)
      tpu.yield
    }) : () -> ()
    %run_scoped3A_32 = arith.constant 30 : i32
    "tpu.region"() ({
      %run_scoped3A_43 = tpu.sem_alloc : memref<!tpu.dma_semaphore, #tpu.memory_space<semaphore_mem>>
      %dma_start3A = arith.constant 0 : i32
      %dma_start3A_44 = tpu.memref_slice %arg6[%run_scoped3A_32, %dma_start3A] : memref<40x256xi32, #tpu.memory_space<vmem>> -> memref<1x256xi32, #tpu.memory_space<vmem>>
      %dma_start3A_45 = tpu.memref_squeeze %dma_start3A_44 : memref<1x256xi32, #tpu.memory_space<vmem>> -> memref<256xi32, #tpu.memory_space<vmem>>
      %dma_start3A_46 = arith.constant 0 : i32
      %dma_start3A_47 = arith.constant 0 : i32
      %dma_start3A_48 = tpu.memref_slice %arg8[%dma_start3A_46, %dma_start3A_47] : memref<40448x32xf32, #tpu.memory_space<vmem_shared>> -> memref<40448x32xf32, #tpu.memory_space<vmem_shared>>
      tpu.enqueue_indirect_dma source(%arg7 : memref<256x32xf32, #tpu.memory_space<vmem>>) target(%dma_start3A_48 : memref<40448x32xf32, #tpu.memory_space<vmem_shared>>) offsets(%dma_start3A_45 : memref<256xi32, #tpu.memory_space<vmem>>) semaphore(%run_scoped3A_43 : memref<!tpu.dma_semaphore, #tpu.memory_space<semaphore_mem>>) {add = true}
      %dma_wait3A = arith.constant 0 : i32
      %dma_wait3A_49 = tpu.memref_slice %arg6[%run_scoped3A_32, %dma_wait3A] : memref<40x256xi32, #tpu.memory_space<vmem>> -> memref<1x256xi32, #tpu.memory_space<vmem>>
      %dma_wait3A_50 = tpu.memref_squeeze %dma_wait3A_49 : memref<1x256xi32, #tpu.memory_space<vmem>> -> memref<256xi32, #tpu.memory_space<vmem>>
      %dma_wait3A_51 = arith.constant 0 : i32
      %dma_wait3A_52 = arith.constant 0 : i32
      %dma_wait3A_53 = tpu.memref_slice %arg8[%dma_wait3A_51, %dma_wait3A_52] : memref<40448x32xf32, #tpu.memory_space<vmem_shared>> -> memref<40448x32xf32, #tpu.memory_space<vmem_shared>>
      tpu.wait_indirect_dma semaphore(%run_scoped3A_43 : memref<!tpu.dma_semaphore, #tpu.memory_space<semaphore_mem>>) src(%arg7 : memref<256x32xf32, #tpu.memory_space<vmem>>) dst(%dma_wait3A_53 : memref<40448x32xf32, #tpu.memory_space<vmem_shared>>)
      tpu.yield
    }) : () -> ()
    %run_scoped3A_33 = arith.constant 31 : i32
    "tpu.region"() ({
      %run_scoped3A_43 = tpu.sem_alloc : memref<!tpu.dma_semaphore, #tpu.memory_space<semaphore_mem>>
      %dma_start3A = arith.constant 0 : i32
      %dma_start3A_44 = tpu.memref_slice %arg6[%run_scoped3A_33, %dma_start3A] : memref<40x256xi32, #tpu.memory_space<vmem>> -> memref<1x256xi32, #tpu.memory_space<vmem>>
      %dma_start3A_45 = tpu.memref_squeeze %dma_start3A_44 : memref<1x256xi32, #tpu.memory_space<vmem>> -> memref<256xi32, #tpu.memory_space<vmem>>
      %dma_start3A_46 = arith.constant 0 : i32
      %dma_start3A_47 = arith.constant 0 : i32
      %dma_start3A_48 = tpu.memref_slice %arg8[%dma_start3A_46, %dma_start3A_47] : memref<40448x32xf32, #tpu.memory_space<vmem_shared>> -> memref<40448x32xf32, #tpu.memory_space<vmem_shared>>
      tpu.enqueue_indirect_dma source(%arg7 : memref<256x32xf32, #tpu.memory_space<vmem>>) target(%dma_start3A_48 : memref<40448x32xf32, #tpu.memory_space<vmem_shared>>) offsets(%dma_start3A_45 : memref<256xi32, #tpu.memory_space<vmem>>) semaphore(%run_scoped3A_43 : memref<!tpu.dma_semaphore, #tpu.memory_space<semaphore_mem>>) {add = true}
      %dma_wait3A = arith.constant 0 : i32
      %dma_wait3A_49 = tpu.memref_slice %arg6[%run_scoped3A_33, %dma_wait3A] : memref<40x256xi32, #tpu.memory_space<vmem>> -> memref<1x256xi32, #tpu.memory_space<vmem>>
      %dma_wait3A_50 = tpu.memref_squeeze %dma_wait3A_49 : memref<1x256xi32, #tpu.memory_space<vmem>> -> memref<256xi32, #tpu.memory_space<vmem>>
      %dma_wait3A_51 = arith.constant 0 : i32
      %dma_wait3A_52 = arith.constant 0 : i32
      %dma_wait3A_53 = tpu.memref_slice %arg8[%dma_wait3A_51, %dma_wait3A_52] : memref<40448x32xf32, #tpu.memory_space<vmem_shared>> -> memref<40448x32xf32, #tpu.memory_space<vmem_shared>>
      tpu.wait_indirect_dma semaphore(%run_scoped3A_43 : memref<!tpu.dma_semaphore, #tpu.memory_space<semaphore_mem>>) src(%arg7 : memref<256x32xf32, #tpu.memory_space<vmem>>) dst(%dma_wait3A_53 : memref<40448x32xf32, #tpu.memory_space<vmem_shared>>)
      tpu.yield
    }) : () -> ()
    %run_scoped3A_34 = arith.constant 32 : i32
    "tpu.region"() ({
      %run_scoped3A_43 = tpu.sem_alloc : memref<!tpu.dma_semaphore, #tpu.memory_space<semaphore_mem>>
      %dma_start3A = arith.constant 0 : i32
      %dma_start3A_44 = tpu.memref_slice %arg6[%run_scoped3A_34, %dma_start3A] : memref<40x256xi32, #tpu.memory_space<vmem>> -> memref<1x256xi32, #tpu.memory_space<vmem>>
      %dma_start3A_45 = tpu.memref_squeeze %dma_start3A_44 : memref<1x256xi32, #tpu.memory_space<vmem>> -> memref<256xi32, #tpu.memory_space<vmem>>
      %dma_start3A_46 = arith.constant 0 : i32
      %dma_start3A_47 = arith.constant 0 : i32
      %dma_start3A_48 = tpu.memref_slice %arg8[%dma_start3A_46, %dma_start3A_47] : memref<40448x32xf32, #tpu.memory_space<vmem_shared>> -> memref<40448x32xf32, #tpu.memory_space<vmem_shared>>
      tpu.enqueue_indirect_dma source(%arg7 : memref<256x32xf32, #tpu.memory_space<vmem>>) target(%dma_start3A_48 : memref<40448x32xf32, #tpu.memory_space<vmem_shared>>) offsets(%dma_start3A_45 : memref<256xi32, #tpu.memory_space<vmem>>) semaphore(%run_scoped3A_43 : memref<!tpu.dma_semaphore, #tpu.memory_space<semaphore_mem>>) {add = true}
      %dma_wait3A = arith.constant 0 : i32
      %dma_wait3A_49 = tpu.memref_slice %arg6[%run_scoped3A_34, %dma_wait3A] : memref<40x256xi32, #tpu.memory_space<vmem>> -> memref<1x256xi32, #tpu.memory_space<vmem>>
      %dma_wait3A_50 = tpu.memref_squeeze %dma_wait3A_49 : memref<1x256xi32, #tpu.memory_space<vmem>> -> memref<256xi32, #tpu.memory_space<vmem>>
      %dma_wait3A_51 = arith.constant 0 : i32
      %dma_wait3A_52 = arith.constant 0 : i32
      %dma_wait3A_53 = tpu.memref_slice %arg8[%dma_wait3A_51, %dma_wait3A_52] : memref<40448x32xf32, #tpu.memory_space<vmem_shared>> -> memref<40448x32xf32, #tpu.memory_space<vmem_shared>>
      tpu.wait_indirect_dma semaphore(%run_scoped3A_43 : memref<!tpu.dma_semaphore, #tpu.memory_space<semaphore_mem>>) src(%arg7 : memref<256x32xf32, #tpu.memory_space<vmem>>) dst(%dma_wait3A_53 : memref<40448x32xf32, #tpu.memory_space<vmem_shared>>)
      tpu.yield
    }) : () -> ()
    %run_scoped3A_35 = arith.constant 33 : i32
    "tpu.region"() ({
      %run_scoped3A_43 = tpu.sem_alloc : memref<!tpu.dma_semaphore, #tpu.memory_space<semaphore_mem>>
      %dma_start3A = arith.constant 0 : i32
      %dma_start3A_44 = tpu.memref_slice %arg6[%run_scoped3A_35, %dma_start3A] : memref<40x256xi32, #tpu.memory_space<vmem>> -> memref<1x256xi32, #tpu.memory_space<vmem>>
      %dma_start3A_45 = tpu.memref_squeeze %dma_start3A_44 : memref<1x256xi32, #tpu.memory_space<vmem>> -> memref<256xi32, #tpu.memory_space<vmem>>
      %dma_start3A_46 = arith.constant 0 : i32
      %dma_start3A_47 = arith.constant 0 : i32
      %dma_start3A_48 = tpu.memref_slice %arg8[%dma_start3A_46, %dma_start3A_47] : memref<40448x32xf32, #tpu.memory_space<vmem_shared>> -> memref<40448x32xf32, #tpu.memory_space<vmem_shared>>
      tpu.enqueue_indirect_dma source(%arg7 : memref<256x32xf32, #tpu.memory_space<vmem>>) target(%dma_start3A_48 : memref<40448x32xf32, #tpu.memory_space<vmem_shared>>) offsets(%dma_start3A_45 : memref<256xi32, #tpu.memory_space<vmem>>) semaphore(%run_scoped3A_43 : memref<!tpu.dma_semaphore, #tpu.memory_space<semaphore_mem>>) {add = true}
      %dma_wait3A = arith.constant 0 : i32
      %dma_wait3A_49 = tpu.memref_slice %arg6[%run_scoped3A_35, %dma_wait3A] : memref<40x256xi32, #tpu.memory_space<vmem>> -> memref<1x256xi32, #tpu.memory_space<vmem>>
      %dma_wait3A_50 = tpu.memref_squeeze %dma_wait3A_49 : memref<1x256xi32, #tpu.memory_space<vmem>> -> memref<256xi32, #tpu.memory_space<vmem>>
      %dma_wait3A_51 = arith.constant 0 : i32
      %dma_wait3A_52 = arith.constant 0 : i32
      %dma_wait3A_53 = tpu.memref_slice %arg8[%dma_wait3A_51, %dma_wait3A_52] : memref<40448x32xf32, #tpu.memory_space<vmem_shared>> -> memref<40448x32xf32, #tpu.memory_space<vmem_shared>>
      tpu.wait_indirect_dma semaphore(%run_scoped3A_43 : memref<!tpu.dma_semaphore, #tpu.memory_space<semaphore_mem>>) src(%arg7 : memref<256x32xf32, #tpu.memory_space<vmem>>) dst(%dma_wait3A_53 : memref<40448x32xf32, #tpu.memory_space<vmem_shared>>)
      tpu.yield
    }) : () -> ()
    %run_scoped3A_36 = arith.constant 34 : i32
    "tpu.region"() ({
      %run_scoped3A_43 = tpu.sem_alloc : memref<!tpu.dma_semaphore, #tpu.memory_space<semaphore_mem>>
      %dma_start3A = arith.constant 0 : i32
      %dma_start3A_44 = tpu.memref_slice %arg6[%run_scoped3A_36, %dma_start3A] : memref<40x256xi32, #tpu.memory_space<vmem>> -> memref<1x256xi32, #tpu.memory_space<vmem>>
      %dma_start3A_45 = tpu.memref_squeeze %dma_start3A_44 : memref<1x256xi32, #tpu.memory_space<vmem>> -> memref<256xi32, #tpu.memory_space<vmem>>
      %dma_start3A_46 = arith.constant 0 : i32
      %dma_start3A_47 = arith.constant 0 : i32
      %dma_start3A_48 = tpu.memref_slice %arg8[%dma_start3A_46, %dma_start3A_47] : memref<40448x32xf32, #tpu.memory_space<vmem_shared>> -> memref<40448x32xf32, #tpu.memory_space<vmem_shared>>
      tpu.enqueue_indirect_dma source(%arg7 : memref<256x32xf32, #tpu.memory_space<vmem>>) target(%dma_start3A_48 : memref<40448x32xf32, #tpu.memory_space<vmem_shared>>) offsets(%dma_start3A_45 : memref<256xi32, #tpu.memory_space<vmem>>) semaphore(%run_scoped3A_43 : memref<!tpu.dma_semaphore, #tpu.memory_space<semaphore_mem>>) {add = true}
      %dma_wait3A = arith.constant 0 : i32
      %dma_wait3A_49 = tpu.memref_slice %arg6[%run_scoped3A_36, %dma_wait3A] : memref<40x256xi32, #tpu.memory_space<vmem>> -> memref<1x256xi32, #tpu.memory_space<vmem>>
      %dma_wait3A_50 = tpu.memref_squeeze %dma_wait3A_49 : memref<1x256xi32, #tpu.memory_space<vmem>> -> memref<256xi32, #tpu.memory_space<vmem>>
      %dma_wait3A_51 = arith.constant 0 : i32
      %dma_wait3A_52 = arith.constant 0 : i32
      %dma_wait3A_53 = tpu.memref_slice %arg8[%dma_wait3A_51, %dma_wait3A_52] : memref<40448x32xf32, #tpu.memory_space<vmem_shared>> -> memref<40448x32xf32, #tpu.memory_space<vmem_shared>>
      tpu.wait_indirect_dma semaphore(%run_scoped3A_43 : memref<!tpu.dma_semaphore, #tpu.memory_space<semaphore_mem>>) src(%arg7 : memref<256x32xf32, #tpu.memory_space<vmem>>) dst(%dma_wait3A_53 : memref<40448x32xf32, #tpu.memory_space<vmem_shared>>)
      tpu.yield
    }) : () -> ()
    %run_scoped3A_37 = arith.constant 35 : i32
    "tpu.region"() ({
      %run_scoped3A_43 = tpu.sem_alloc : memref<!tpu.dma_semaphore, #tpu.memory_space<semaphore_mem>>
      %dma_start3A = arith.constant 0 : i32
      %dma_start3A_44 = tpu.memref_slice %arg6[%run_scoped3A_37, %dma_start3A] : memref<40x256xi32, #tpu.memory_space<vmem>> -> memref<1x256xi32, #tpu.memory_space<vmem>>
      %dma_start3A_45 = tpu.memref_squeeze %dma_start3A_44 : memref<1x256xi32, #tpu.memory_space<vmem>> -> memref<256xi32, #tpu.memory_space<vmem>>
      %dma_start3A_46 = arith.constant 0 : i32
      %dma_start3A_47 = arith.constant 0 : i32
      %dma_start3A_48 = tpu.memref_slice %arg8[%dma_start3A_46, %dma_start3A_47] : memref<40448x32xf32, #tpu.memory_space<vmem_shared>> -> memref<40448x32xf32, #tpu.memory_space<vmem_shared>>
      tpu.enqueue_indirect_dma source(%arg7 : memref<256x32xf32, #tpu.memory_space<vmem>>) target(%dma_start3A_48 : memref<40448x32xf32, #tpu.memory_space<vmem_shared>>) offsets(%dma_start3A_45 : memref<256xi32, #tpu.memory_space<vmem>>) semaphore(%run_scoped3A_43 : memref<!tpu.dma_semaphore, #tpu.memory_space<semaphore_mem>>) {add = true}
      %dma_wait3A = arith.constant 0 : i32
      %dma_wait3A_49 = tpu.memref_slice %arg6[%run_scoped3A_37, %dma_wait3A] : memref<40x256xi32, #tpu.memory_space<vmem>> -> memref<1x256xi32, #tpu.memory_space<vmem>>
      %dma_wait3A_50 = tpu.memref_squeeze %dma_wait3A_49 : memref<1x256xi32, #tpu.memory_space<vmem>> -> memref<256xi32, #tpu.memory_space<vmem>>
      %dma_wait3A_51 = arith.constant 0 : i32
      %dma_wait3A_52 = arith.constant 0 : i32
      %dma_wait3A_53 = tpu.memref_slice %arg8[%dma_wait3A_51, %dma_wait3A_52] : memref<40448x32xf32, #tpu.memory_space<vmem_shared>> -> memref<40448x32xf32, #tpu.memory_space<vmem_shared>>
      tpu.wait_indirect_dma semaphore(%run_scoped3A_43 : memref<!tpu.dma_semaphore, #tpu.memory_space<semaphore_mem>>) src(%arg7 : memref<256x32xf32, #tpu.memory_space<vmem>>) dst(%dma_wait3A_53 : memref<40448x32xf32, #tpu.memory_space<vmem_shared>>)
      tpu.yield
    }) : () -> ()
    %run_scoped3A_38 = arith.constant 36 : i32
    "tpu.region"() ({
      %run_scoped3A_43 = tpu.sem_alloc : memref<!tpu.dma_semaphore, #tpu.memory_space<semaphore_mem>>
      %dma_start3A = arith.constant 0 : i32
      %dma_start3A_44 = tpu.memref_slice %arg6[%run_scoped3A_38, %dma_start3A] : memref<40x256xi32, #tpu.memory_space<vmem>> -> memref<1x256xi32, #tpu.memory_space<vmem>>
      %dma_start3A_45 = tpu.memref_squeeze %dma_start3A_44 : memref<1x256xi32, #tpu.memory_space<vmem>> -> memref<256xi32, #tpu.memory_space<vmem>>
      %dma_start3A_46 = arith.constant 0 : i32
      %dma_start3A_47 = arith.constant 0 : i32
      %dma_start3A_48 = tpu.memref_slice %arg8[%dma_start3A_46, %dma_start3A_47] : memref<40448x32xf32, #tpu.memory_space<vmem_shared>> -> memref<40448x32xf32, #tpu.memory_space<vmem_shared>>
      tpu.enqueue_indirect_dma source(%arg7 : memref<256x32xf32, #tpu.memory_space<vmem>>) target(%dma_start3A_48 : memref<40448x32xf32, #tpu.memory_space<vmem_shared>>) offsets(%dma_start3A_45 : memref<256xi32, #tpu.memory_space<vmem>>) semaphore(%run_scoped3A_43 : memref<!tpu.dma_semaphore, #tpu.memory_space<semaphore_mem>>) {add = true}
      %dma_wait3A = arith.constant 0 : i32
      %dma_wait3A_49 = tpu.memref_slice %arg6[%run_scoped3A_38, %dma_wait3A] : memref<40x256xi32, #tpu.memory_space<vmem>> -> memref<1x256xi32, #tpu.memory_space<vmem>>
      %dma_wait3A_50 = tpu.memref_squeeze %dma_wait3A_49 : memref<1x256xi32, #tpu.memory_space<vmem>> -> memref<256xi32, #tpu.memory_space<vmem>>
      %dma_wait3A_51 = arith.constant 0 : i32
      %dma_wait3A_52 = arith.constant 0 : i32
      %dma_wait3A_53 = tpu.memref_slice %arg8[%dma_wait3A_51, %dma_wait3A_52] : memref<40448x32xf32, #tpu.memory_space<vmem_shared>> -> memref<40448x32xf32, #tpu.memory_space<vmem_shared>>
      tpu.wait_indirect_dma semaphore(%run_scoped3A_43 : memref<!tpu.dma_semaphore, #tpu.memory_space<semaphore_mem>>) src(%arg7 : memref<256x32xf32, #tpu.memory_space<vmem>>) dst(%dma_wait3A_53 : memref<40448x32xf32, #tpu.memory_space<vmem_shared>>)
      tpu.yield
    }) : () -> ()
    %run_scoped3A_39 = arith.constant 37 : i32
    "tpu.region"() ({
      %run_scoped3A_43 = tpu.sem_alloc : memref<!tpu.dma_semaphore, #tpu.memory_space<semaphore_mem>>
      %dma_start3A = arith.constant 0 : i32
      %dma_start3A_44 = tpu.memref_slice %arg6[%run_scoped3A_39, %dma_start3A] : memref<40x256xi32, #tpu.memory_space<vmem>> -> memref<1x256xi32, #tpu.memory_space<vmem>>
      %dma_start3A_45 = tpu.memref_squeeze %dma_start3A_44 : memref<1x256xi32, #tpu.memory_space<vmem>> -> memref<256xi32, #tpu.memory_space<vmem>>
      %dma_start3A_46 = arith.constant 0 : i32
      %dma_start3A_47 = arith.constant 0 : i32
      %dma_start3A_48 = tpu.memref_slice %arg8[%dma_start3A_46, %dma_start3A_47] : memref<40448x32xf32, #tpu.memory_space<vmem_shared>> -> memref<40448x32xf32, #tpu.memory_space<vmem_shared>>
      tpu.enqueue_indirect_dma source(%arg7 : memref<256x32xf32, #tpu.memory_space<vmem>>) target(%dma_start3A_48 : memref<40448x32xf32, #tpu.memory_space<vmem_shared>>) offsets(%dma_start3A_45 : memref<256xi32, #tpu.memory_space<vmem>>) semaphore(%run_scoped3A_43 : memref<!tpu.dma_semaphore, #tpu.memory_space<semaphore_mem>>) {add = true}
      %dma_wait3A = arith.constant 0 : i32
      %dma_wait3A_49 = tpu.memref_slice %arg6[%run_scoped3A_39, %dma_wait3A] : memref<40x256xi32, #tpu.memory_space<vmem>> -> memref<1x256xi32, #tpu.memory_space<vmem>>
      %dma_wait3A_50 = tpu.memref_squeeze %dma_wait3A_49 : memref<1x256xi32, #tpu.memory_space<vmem>> -> memref<256xi32, #tpu.memory_space<vmem>>
      %dma_wait3A_51 = arith.constant 0 : i32
      %dma_wait3A_52 = arith.constant 0 : i32
      %dma_wait3A_53 = tpu.memref_slice %arg8[%dma_wait3A_51, %dma_wait3A_52] : memref<40448x32xf32, #tpu.memory_space<vmem_shared>> -> memref<40448x32xf32, #tpu.memory_space<vmem_shared>>
      tpu.wait_indirect_dma semaphore(%run_scoped3A_43 : memref<!tpu.dma_semaphore, #tpu.memory_space<semaphore_mem>>) src(%arg7 : memref<256x32xf32, #tpu.memory_space<vmem>>) dst(%dma_wait3A_53 : memref<40448x32xf32, #tpu.memory_space<vmem_shared>>)
      tpu.yield
    }) : () -> ()
    %run_scoped3A_40 = arith.constant 38 : i32
    "tpu.region"() ({
      %run_scoped3A_43 = tpu.sem_alloc : memref<!tpu.dma_semaphore, #tpu.memory_space<semaphore_mem>>
      %dma_start3A = arith.constant 0 : i32
      %dma_start3A_44 = tpu.memref_slice %arg6[%run_scoped3A_40, %dma_start3A] : memref<40x256xi32, #tpu.memory_space<vmem>> -> memref<1x256xi32, #tpu.memory_space<vmem>>
      %dma_start3A_45 = tpu.memref_squeeze %dma_start3A_44 : memref<1x256xi32, #tpu.memory_space<vmem>> -> memref<256xi32, #tpu.memory_space<vmem>>
      %dma_start3A_46 = arith.constant 0 : i32
      %dma_start3A_47 = arith.constant 0 : i32
      %dma_start3A_48 = tpu.memref_slice %arg8[%dma_start3A_46, %dma_start3A_47] : memref<40448x32xf32, #tpu.memory_space<vmem_shared>> -> memref<40448x32xf32, #tpu.memory_space<vmem_shared>>
      tpu.enqueue_indirect_dma source(%arg7 : memref<256x32xf32, #tpu.memory_space<vmem>>) target(%dma_start3A_48 : memref<40448x32xf32, #tpu.memory_space<vmem_shared>>) offsets(%dma_start3A_45 : memref<256xi32, #tpu.memory_space<vmem>>) semaphore(%run_scoped3A_43 : memref<!tpu.dma_semaphore, #tpu.memory_space<semaphore_mem>>) {add = true}
      %dma_wait3A = arith.constant 0 : i32
      %dma_wait3A_49 = tpu.memref_slice %arg6[%run_scoped3A_40, %dma_wait3A] : memref<40x256xi32, #tpu.memory_space<vmem>> -> memref<1x256xi32, #tpu.memory_space<vmem>>
      %dma_wait3A_50 = tpu.memref_squeeze %dma_wait3A_49 : memref<1x256xi32, #tpu.memory_space<vmem>> -> memref<256xi32, #tpu.memory_space<vmem>>
      %dma_wait3A_51 = arith.constant 0 : i32
      %dma_wait3A_52 = arith.constant 0 : i32
      %dma_wait3A_53 = tpu.memref_slice %arg8[%dma_wait3A_51, %dma_wait3A_52] : memref<40448x32xf32, #tpu.memory_space<vmem_shared>> -> memref<40448x32xf32, #tpu.memory_space<vmem_shared>>
      tpu.wait_indirect_dma semaphore(%run_scoped3A_43 : memref<!tpu.dma_semaphore, #tpu.memory_space<semaphore_mem>>) src(%arg7 : memref<256x32xf32, #tpu.memory_space<vmem>>) dst(%dma_wait3A_53 : memref<40448x32xf32, #tpu.memory_space<vmem_shared>>)
      tpu.yield
    }) : () -> ()
    %run_scoped3A_41 = arith.constant 39 : i32
    "tpu.region"() ({
      %run_scoped3A_43 = tpu.sem_alloc : memref<!tpu.dma_semaphore, #tpu.memory_space<semaphore_mem>>
      %dma_start3A = arith.constant 0 : i32
      %dma_start3A_44 = tpu.memref_slice %arg6[%run_scoped3A_41, %dma_start3A] : memref<40x256xi32, #tpu.memory_space<vmem>> -> memref<1x256xi32, #tpu.memory_space<vmem>>
      %dma_start3A_45 = tpu.memref_squeeze %dma_start3A_44 : memref<1x256xi32, #tpu.memory_space<vmem>> -> memref<256xi32, #tpu.memory_space<vmem>>
      %dma_start3A_46 = arith.constant 0 : i32
      %dma_start3A_47 = arith.constant 0 : i32
      %dma_start3A_48 = tpu.memref_slice %arg8[%dma_start3A_46, %dma_start3A_47] : memref<40448x32xf32, #tpu.memory_space<vmem_shared>> -> memref<40448x32xf32, #tpu.memory_space<vmem_shared>>
      tpu.enqueue_indirect_dma source(%arg7 : memref<256x32xf32, #tpu.memory_space<vmem>>) target(%dma_start3A_48 : memref<40448x32xf32, #tpu.memory_space<vmem_shared>>) offsets(%dma_start3A_45 : memref<256xi32, #tpu.memory_space<vmem>>) semaphore(%run_scoped3A_43 : memref<!tpu.dma_semaphore, #tpu.memory_space<semaphore_mem>>) {add = true}
      %dma_wait3A = arith.constant 0 : i32
      %dma_wait3A_49 = tpu.memref_slice %arg6[%run_scoped3A_41, %dma_wait3A] : memref<40x256xi32, #tpu.memory_space<vmem>> -> memref<1x256xi32, #tpu.memory_space<vmem>>
      %dma_wait3A_50 = tpu.memref_squeeze %dma_wait3A_49 : memref<1x256xi32, #tpu.memory_space<vmem>> -> memref<256xi32, #tpu.memory_space<vmem>>
      %dma_wait3A_51 = arith.constant 0 : i32
      %dma_wait3A_52 = arith.constant 0 : i32
      %dma_wait3A_53 = tpu.memref_slice %arg8[%dma_wait3A_51, %dma_wait3A_52] : memref<40448x32xf32, #tpu.memory_space<vmem_shared>> -> memref<40448x32xf32, #tpu.memory_space<vmem_shared>>
      tpu.wait_indirect_dma semaphore(%run_scoped3A_43 : memref<!tpu.dma_semaphore, #tpu.memory_space<semaphore_mem>>) src(%arg7 : memref<256x32xf32, #tpu.memory_space<vmem>>) dst(%dma_wait3A_53 : memref<40448x32xf32, #tpu.memory_space<vmem_shared>>)
      tpu.yield
    }) : () -> ()
    %barrier3A_42 = arith.constant 0 : index
    tpu.barrier barrier_id(%barrier3A_42)
    "tpu.region"() ({
      %run_scoped3A_43 = tpu.sem_alloc : memref<!tpu.dma_semaphore, #tpu.memory_space<semaphore_mem>>
      %dma_start3A = arith.constant 0 : i32
      %dma_start3A_44 = arith.constant 0 : i32
      %dma_start3A_45 = tpu.memref_slice %arg5[%arg0, %dma_start3A, %dma_start3A_44] : memref<2x40448x32xf32, #tpu.memory_space<hbm>> -> memref<1x40448x32xf32, #tpu.memory_space<hbm>>
      %dma_start3A_46 = tpu.memref_squeeze %dma_start3A_45 : memref<1x40448x32xf32, #tpu.memory_space<hbm>> -> memref<40448x32xf32, #tpu.memory_space<hbm>>
      %dma_start3A_47 = arith.constant 0 : i32
      %dma_start3A_48 = tpu.memref_slice %dma_start3A_46[%mul3A_2, %dma_start3A_47] : memref<40448x32xf32, #tpu.memory_space<hbm>> -> memref<2528x32xf32, #tpu.memory_space<hbm>>
      %dma_start3A_49 = arith.constant 0 : i32
      %dma_start3A_50 = tpu.memref_slice %arg8[%mul3A_2, %dma_start3A_49] : memref<40448x32xf32, #tpu.memory_space<vmem_shared>> -> memref<2528x32xf32, #tpu.memory_space<vmem_shared>>
      tpu.enqueue_dma source(%dma_start3A_50 : memref<2528x32xf32, #tpu.memory_space<vmem_shared>>) target(%dma_start3A_48 : memref<2528x32xf32, #tpu.memory_space<hbm>>) target_semaphore(%run_scoped3A_43 : memref<!tpu.dma_semaphore, #tpu.memory_space<semaphore_mem>>)
      %dma_wait3A = arith.constant 0 : i32
      %dma_wait3A_51 = arith.constant 0 : i32
      %dma_wait3A_52 = tpu.memref_slice %arg5[%arg0, %dma_wait3A, %dma_wait3A_51] : memref<2x40448x32xf32, #tpu.memory_space<hbm>> -> memref<1x40448x32xf32, #tpu.memory_space<hbm>>
      %dma_wait3A_53 = tpu.memref_squeeze %dma_wait3A_52 : memref<1x40448x32xf32, #tpu.memory_space<hbm>> -> memref<40448x32xf32, #tpu.memory_space<hbm>>
      %dma_wait3A_54 = arith.constant 0 : i32
      %dma_wait3A_55 = tpu.memref_slice %dma_wait3A_53[%mul3A_2, %dma_wait3A_54] : memref<40448x32xf32, #tpu.memory_space<hbm>> -> memref<2528x32xf32, #tpu.memory_space<hbm>>
      %dma_wait3A_56 = arith.constant 0 : i32
      %dma_wait3A_57 = tpu.memref_slice %arg8[%mul3A_2, %dma_wait3A_56] : memref<40448x32xf32, #tpu.memory_space<vmem_shared>> -> memref<2528x32xf32, #tpu.memory_space<vmem_shared>>
      tpu.wait_dma2 semaphore(%run_scoped3A_43 : memref<!tpu.dma_semaphore, #tpu.memory_space<semaphore_mem>>) src(%dma_wait3A_57 : memref<2528x32xf32, #tpu.memory_space<vmem_shared>>) dst(%dma_wait3A_55 : memref<2528x32xf32, #tpu.memory_space<hbm>>)
      tpu.yield
    }) : () -> ()
    return
  }
}

</mosaic_0001>

<sc_bundles>
// kernel: _sc_counts.3.cloned.1.call-start
scs
__scs_entry_jumppad:
0x0: {  	(pc) =	sbr.rel $0x88, $3  }
0x1: {  	(tag) =	ssettag $0x0;
	lr =	simm.s32 $0x1  }
0x2: {  	[smem:$0x3F9E] =	sst lr;
	_ =	strace $0xD0000000  }
0x3: {  	_ = 	snop  }
0x4: {  	_ = 	snop  }
0x5: {  	_ = 	snop  }
0x6: {  	_ = 	snop  }
0x7: {  	_ = 	snop  }
__scs_overlays_trampoline_lowered:
0x8: {  	[smem:$0x3FAD] =	sst s0  }
0x9: {  	[smem:$0x3FAE] =	sst s1  }
0xa: {  	[smem:$0x3FAF] =	sst s2  }
0xb: {  	[smem:$0x3FB0] =	sst s3  }
0xc: {  	[smem:$0x3FB1] =	sst s4  }
0xd: {  	[smem:$0x3FB2] =	sst s5  }
0xe: {  	[smem:$0x3FB3] =	sst s6  }
0xf: {  	[smem:$0x3FB4] =	sst s7  }
0x10: {  	[smem:$0x3FB5] =	sst s8  }
0x11: {  	[smem:$0x3FB6] =	sst s9;
	s0 =	simm.s32 @!p0 $0x0  }
0x12: {  	s1 =	sld [smem:$0x3F9C];
	s0 =	simm.s32 @p0 $0x1  }
0x13: {  	[smem:$0x3FB7] =	sst s0;
	s0 =	simm.s32 @!p1 $0x0  }
0x14: {  	s2 =	sld [smem:$0x3F9B];
	s0 =	simm.s32 @p1 $0x1  }
0x15: {  	[smem:$0x3FB8] =	sst s0;
	s0 =	simm.s32 @!p2 $0x0  }
0x16: {  	s3 =	sld [smem:$0x3FDB];
	s0 =	simm.s32 @p2 $0x1  }
0x17: {  	s4 =	simm.s32 $0x1BF5;
	[smem:$0x3FBA] =	sst s0  }
0x18: {  	s0 =	sld [smem:$0x3F9D];
	_ =	swait.ge [sflag:s4], $0x0  }
0x19: {  	s7 =	sld [smem:$0x3F9E]  }
0x1a: {  	s8 =	sadd.s32 $0xFFFFE003, lr  }
0x1b: {  	s9 =	sadd.s32 $0xFFFFFEF7, lr;
	s5 =	simm.s32 $0xFFFFFFFF;
	p2 =	slt.u32 s8, $0xFFFFF086  }
0x1c: {  	p1 =	slt.u32 s9, $0xF7A;
	s5 =	simm.s32 @!p2 $0x0  }
0x1d: {  	s5 =	simm.s32 @p1 $0x1;
	p0 =	seq.s32 s7, s2  }
0x1e: {  	s7 =	smul.u32 @!p0 $0xF7A, s2;
	p2 =	seq.s32 @!p0 s5, $0x0  }
0x1f: {  	s9 =	smul.u32 $0xF7A, s1;
	s8 =	simm.s32 @!p0 $0x1BF5;
	p2 =	por !p2, p0  }
0x20: {  	[sflag:s8] =	ssyncset.s32 @!p0 $0xFFFFF086;
	s6 =	sadd.s32 @!p0 s3, s7;
	s7 =	simm.s32 @!p0 $0x108  }
0x21: {  	s3 =	sadd.s32 s3, s9;
	s6 =	sadd.s32 @!p0 $0x88, s6;
	s7 =	simm.s32 @p2 $0x1082  }
0x22: {  	[simem:s7], [sflag:s8] =	dma.local @!p0 [hbm:s6], $0xF7A  }
0x23: {  	s9 =	sor.u32 $0xD0000000, s2;
	s6 =	simm.s32 $0x108;
	_ =	swait.ge @!p0 [sflag:s8], $0x0  }
0x24: {  	s3 =	sadd.s32 $0x88, s3;
	s6 =	simm.s32 @!p1 $0x1082;
	[sflag:s4] =	ssyncset.s32 $0xFFFFF086  }
0x25: {  	[simem:s6], [sflag:s4] =	dma.local [hbm:s3], $0xF7A  }
0x26: {  	[smem:$0x3F9E] =	sst s1;
	(tag) =	ssettag s2;
	_ =	strace s9  }
0x27: {  	s1 =	sld [smem:$0x3FAE]  }
0x28: {  	s2 =	sld [smem:$0x3FAF]  }
0x29: {  	s4 =	sld [smem:$0x3FB1]  }
0x2a: {  	p0 =	seq.s32 s5, $0x0;
	s5 =	sld [smem:$0x3FB2]  }
0x2b: {  	s6 =	sld [smem:$0x3FB3]  }
0x2c: {  	s7 =	sld [smem:$0x3FB4]  }
0x2d: {  	s3 =	simm.s32 $0x108;
	s8 =	sld [smem:$0x3FB5]  }
0x2e: {  	s3 =	simm.s32 @!p0 $0x1082;
	s9 =	sld [smem:$0x3FB6]  }
0x2f: {  	lr =	sadd.s32 s0, s3;
	s0 =	sld [smem:$0x3FAD]  }
0x30: {  	s3 =	sld [smem:$0x3FB0]  }
0x31: {  	[smem:$0x3FB9] =	sst s10  }
0x32: {  	s10 =	sld [smem:$0x3FB7];
	_ =	sdelay $0x3  }
0x33: {  	p0 =	seq.s32 s10, $0x1;
	s10 =	sld [smem:$0x3FB9];
	_ =	sdelay $0x3  }
0x34: {  	[smem:$0x3FB9] =	sst s10  }
0x35: {  	s10 =	sld [smem:$0x3FB8];
	_ =	sdelay $0x3  }
0x36: {  	p1 =	seq.s32 s10, $0x1;
	s10 =	sld [smem:$0x3FB9];
	_ =	sdelay $0x3  }
0x37: {  	[smem:$0x3FB9] =	sst s10  }
0x38: {  	s10 =	sld [smem:$0x3FBA]  }
0x39: {  	_ = 	snop;
	(pc) =	sbr.ind lr, $3  }
0x3a: {  	_ = 	snop  }
0x3b: {  	_ = 	snop  }
0x3c: {  	p2 =	seq.s32 s10, $0x1;
	s10 =	sld [smem:$0x3FB9]  }
0x3d: {  	_ =	shalt  }
0x3e: {  	_ =	shalt  }
0x3f: {  	_ =	shalt  }
0x40: {  	_ =	shalt  }
0x41: {  	_ =	shalt  }
0x42: {  	_ =	shalt  }
0x43: {  	_ =	shalt  }
0x44: {  	_ =	shalt  }
0x45: {  	_ =	shalt  }
0x46: {  	_ =	shalt  }
0x47: {  	_ =	shalt  }
0x48: {  	_ =	shalt  }
0x49: {  	_ =	shalt  }
0x4a: {  	_ =	shalt  }
0x4b: {  	_ =	shalt  }
0x4c: {  	_ =	shalt  }
0x4d: {  	_ =	shalt  }
0x4e: {  	_ =	shalt  }
0x4f: {  	_ =	shalt  }
0x50: {  	_ =	shalt  }
0x51: {  	_ =	shalt  }
0x52: {  	_ =	shalt  }
0x53: {  	_ =	shalt  }
0x54: {  	_ =	shalt  }
0x55: {  	_ =	shalt  }
0x56: {  	_ =	shalt  }
0x57: {  	_ =	shalt  }
0x58: {  	_ =	shalt  }
0x59: {  	_ =	shalt  }
0x5a: {  	_ =	shalt  }
0x5b: {  	_ =	shalt  }
0x5c: {  	_ =	shalt  }
0x5d: {  	_ =	shalt  }
0x5e: {  	_ =	shalt  }
0x5f: {  	_ =	shalt  }
0x60: {  	_ =	shalt  }
0x61: {  	_ =	shalt  }
0x62: {  	_ =	shalt  }
0x63: {  	_ =	shalt  }
0x64: {  	_ =	shalt  }
0x65: {  	_ =	shalt  }
0x66: {  	_ =	shalt  }
0x67: {  	_ =	shalt  }
0x68: {  	_ =	shalt  }
0x69: {  	_ =	shalt  }
0x6a: {  	_ =	shalt  }
0x6b: {  	_ =	shalt  }
0x6c: {  	_ =	shalt  }
0x6d: {  	_ =	shalt  }
0x6e: {  	_ =	shalt  }
0x6f: {  	_ =	shalt  }
0x70: {  	_ =	shalt  }
0x71: {  	_ =	shalt  }
0x72: {  	_ =	shalt  }
0x73: {  	_ =	shalt  }
0x74: {  	_ =	shalt  }
0x75: {  	_ =	shalt  }
0x76: {  	_ =	shalt  }
0x77: {  	_ =	shalt  }
0x78: {  	_ =	shalt  }
0x79: {  	_ =	shalt  }
0x7a: {  	_ =	shalt  }
0x7b: {  	_ =	shalt  }
0x7c: {  	_ =	shalt  }
0x7d: {  	_ =	shalt  }
0x7e: {  	_ =	shalt  }
0x7f: {  	_ =	shalt  }
0x80: {  	_ =	shalt  }
0x81: {  	_ =	shalt  }
0x82: {  	_ =	shalt  }
0x83: {  	_ =	shalt  }
0x84: {  	_ =	shalt  }
0x85: {  	_ =	shalt  }
0x86: {  	_ =	shalt  }
0x87: {  	_ =	shalt  }
.Lfunc_end0:
.L_simem_size_0:
called_computation_lowered:
.L_overlay_start_0:
0x88: {  	s2 =	sld [smem:$0x3FD9]  }
0x89: {  	s3 =	sld [smem:$0x3FFE];
	_ =	sdelay $0x1  }
0x8a: {  	s1 =	srdreg.scid  }
0x8b: {  	s0 =	sand.u32 $0x1, s1  }
0x8c: {  	s17 =	sshll.u32 s0, $0xA;
	s2 =	sadd.s32 s3, s2  }
0x8d: {  	s2 =	sadd.s32 s2, s17  }
0x8e: {  	[smem:$0x3FC5] =	sst s2  }
0x8f: {  	_ = 	snop  }
0x90: {  	s2 =	sld [smem:$0x3FD0];
	(tm) =	ssettm $0x1  }
0x91: {  	s18 =	sld [smem:$0x3FFB];
	_ =	sdelay $0x3  }
0x92: {  	_ =	strace s18  }
0x93: {  	s3 =	sld [smem:$0x3FFC];
	_ =	sdelay $0x3  }
0x94: {  	_ =	strace s3  }
0x95: {  	s3 =	sld [smem:$0x3FFD];
	_ =	sdelay $0x3  }
0x96: {  	_ =	strace s3  }
0x97: {  	_ =	strace $0x8FFFFFFF  }
0x98: {  	s19 =	sld [smem:$0x3FDB];
	_ =	sdelay $0x1  }
0x99: {  	s4 =	simm.s32 $_scs_section_size  }
0x9a: {  	s5 =	simm.s32 $_size__tile_overlayer_lowered;
	s6 =	simm.s32 $_tile_overlayer_lowered  }
0x9b: {  	s22 =	simm.s32 $0x1BFF;
	s21 =	sshll.u32 s6, $0x1;
	s3 =	sadd.s32 s4, s19  }
0x9c: {  	s7 =	simm.s32 $0x0;
	s20 =	sshll.u32 s5, $0x1;
	s5 =	sadd.s32 s21, s3  }
0x9d: {  	[timem:s7], [sflag:s22] =	dma.local [hbm:s5], s20  }
0x9e: {  	_ =	swait.ge [sflag:s22], s20  }
0x9f: {  	s4 =	ssub.s32 $0x0, s20;
	[sflag:s22] =	ssyncset.done $0x0  }
0xa0: {  	[sflag:s22] =	ssyncadd.s32 s4;
	_ =	sdelay $0x1  }
0xa1: {  	s23 =	simm.s32 $0x1B8B  }
0xa2: {  	_ =	swait.ge [sflag:s23], $0x1  }
0xa3: {  	[sflag:s23] =	ssyncset.done $0x0  }
0xa4: {  	s25 =	simm.s32 $0x1B8E;
	s24 =	sld [smem:$0x3FFE];
	[sflag:s23] =	ssyncadd.s32 $0xFFFFFFFF  }
0xa5: {  	s26 =	simm.s32 $execute0_lowered;
	[smem:$0x3FD2] =	sst s25  }
0xa6: {  	s5 =	sshll.u32 s26, $0x1;
	_ =	strace $0x80000046;
	[dreg:$0x1] =	wrdreg $0xFFFFFFFF  }
0xa7: {  	s28 =	simm.s32 $_size_execute0_lowered;
	s3 =	sadd.s32 s3, s5;
	[dreg:$0x0] =	wrdreg $0x0  }
0xa8: {  	s5 =	sshll.u32 s28, $0x1;
	[dreg:$0x2] =	wrdreg s3  }
0xa9: {  	[dreg:$0x3] =	wrdreg s5  }
0xaa: {  	[dreg:$0x4] =	wrdreg $0xC0  }
0xab: {  	_ =	task [dreg:s7], $0x5FFFF  }
0xac: {  	[dreg:$0x1] =	wrdreg $0xFFFFFFFF  }
0xad: {  	[dreg:$0x0] =	wrdreg $0x60  }
0xae: {  	[dreg:$0x2] =	wrdreg s24  }
0xaf: {  	[dreg:$0x3] =	wrdreg s2  }
0xb0: {  	[dreg:$0x4] =	wrdreg $0x48000  }
0xb1: {  	[dreg:$0x5] =	wrdreg $0x9  }
0xb2: {  	_ =	task.clear_ibuf [dreg:s7], $0x6FFFF;
	_ =	strace $0x90000046  }
0xb3: {  	s29 =	simm.s32 $0x9;
	_ =	strace $0x80000048  }
0xb4: {  	_ =	swait.ge [sflag:s29], $0x1  }
0xb5: {  	[sflag:s29] =	ssyncadd.s32 $0xFFFFFFFF  }
0xb6: {  	_ =	strace $0x90000048  }
0xb7: {  	_ =	sfence  }
0xb8: {  	s30 =	sld [smem:$0x0];
	_ =	sdelay $0x2  }
0xb9: {  	s31 =	sshll.u32 s1, $0xD;
	s1 =	sshrl.u32 s1, $0x2  }
0xba: {  	s3 =	sand.u32 $0x4000, s31;
	s1 =	sadd.s32 s1, s30  }
0xbb: {  	s0 =	sor.u32 s3, s0;
	s1 =	sshll.u32 s1, $0x11  }
0xbc: {  	s0 =	sor.u32 s1, s0  }
0xbd: {  	s0 =	sadd.s32 $0x8F2B, s0  }
0xbe: {  	[sflag:s0] =	ssyncadd.remote.s32 $0x1  }
0xbf: {  	_ =	sfence.sel $0xFFFF  }
0xc0: {  	[dreg:$0x0] =	wrdreg $0xFFFFFFFF;
	(pc) =	sbr.abs _section_cstart, $3  }
0xc1: {  	[dreg:$0x1] =	wrdreg $0xFFFFFFFF  }
0xc2: {  	_ =	task.clear_ibuf [dreg:s7], $0x2FFFF;
	_ =	strace $0x9FFFFFFF  }
0xc3: {  	(tm) =	ssettm $0x7FFFFFFF  }
tec
execute0_lowered:
.L_overlay_start_1:
0x0: {  	(tag) =	ssettag $0x1  }
0x1: {  	s0 =	rddreg [dreg:$0x0]  }
0x2: {  	s1 =	rddreg [dreg:$0x1]  }
0x3: {  	s2 =	rddreg [dreg:$0x2];
	s31 =	simm.s32 $0x0  }
0x4: {  	[smem:$0x7FF] =	sst s31;
	s5 =	sadd.s32 $0x400, s0  }
0x5: {  	s6 =	simm.s32 $0x300;
	_ =	strace $0x80000047;
	[dreg:$0x4] =	wrdreg s5  }
0x6: {  	s9 =	simm.s32 $0x400;
	[dreg:$0x8] =	wrdreg s6  }
0x7: {  	s3 =	srdreg.scid;
	s11 =	simm.s32 $0x500;
	[dreg:$0x9] =	wrdreg s9  }
0x8: {  	s7 =	stileid.u32;
	s12 =	simm.s32 $0x600;
	[dreg:$0xa] =	wrdreg s11  }
0x9: {  	s14 =	simm.s32 $0x700;
	s15 =	simm.s32 $0x800;
	[dreg:$0xb] =	wrdreg s12  }
0xa: {  	s16 =	simm.s32 $0x900;
	s17 =	simm.s32 $0xA00;
	[dreg:$0xc] =	wrdreg s14  }
0xb: {  	s18 =	simm.s32 $0xB00;
	s19 =	simm.s32 $0xC00;
	[dreg:$0xd] =	wrdreg s15  }
0xc: {  	s20 =	simm.s32 $0xD00;
	s21 =	simm.s32 $0xE00;
	[dreg:$0xe] =	wrdreg s16  }
0xd: {  	s23 =	simm.s32 $0xF00;
	s24 =	simm.s32 $0x1000;
	[dreg:$0xf] =	wrdreg s17  }
0xe: {  	s25 =	simm.s32 $0x1100;
	s26 =	simm.s32 $0x1200;
	[dreg:$0x10] =	wrdreg s18  }
0xf: {  	s30 =	simm.s32 $0x1300;
	s29 =	simm.s32 $0x1400;
	[dreg:$0x11] =	wrdreg s19  }
0x10: {  	s28 =	simm.s32 $0x1500;
	p0 =	por $0x0, $0x0;
	[dreg:$0x12] =	wrdreg s20  }
0x11: {  	s3 =	sand.u32 $0x1, s3;
	s4 =	sshll.u32 s7, $0x1;
	[dreg:$0x13] =	wrdreg s21  }
0x12: {  	s13 =	smul.u32 $0x13C00, s7;
	s22 =	sshll.u32 s7, $0x6;
	[dreg:$0x14] =	wrdreg s23  }
0x13: {  	s7 =	simm.s32 $0x100;
	s4 =	sor.u32 s3, s4;
	[dreg:$0x15] =	wrdreg s24  }
0x14: {  	s5 =	simm.s32 $0x200;
	s8 =	ssub.s32 $0x2, s3;
	[dreg:$0x16] =	wrdreg s25  }
0x15: {  	s3 =	smul.u32 $0x27800, s3;
	[dreg:$0x17] =	wrdreg s26;
	s26 =	simm.s32 $0x1600  }
0x16: {  	s25 =	simm.s32 $0x1700;
	s24 =	simm.s32 $0x1800;
	s23 =	simm.s32 $0x1900  }
0x17: {  	s21 =	simm.s32 $0x1B00;
	s20 =	simm.s32 $0x1C00;
	s4 =	smul.u32 $0x500, s4  }
0x18: {  	s19 =	simm.s32 $0x1D00;
	s18 =	simm.s32 $0x1E00;
	s17 =	simm.s32 $0x1F00  }
0x19: {  	s16 =	simm.s32 $0x2000;
	s14 =	simm.s32 $0x2100;
	s4 =	sadd.s32 s4, s0  }
0x1a: {  	s15 =	simm.s32 $0x2200;
	s10 =	sshrl.u32 s8, $0x1;
	s4 =	sadd.s32 $0x3000, s4  }
0x1b: {  	s12 =	simm.s32 $0x2400;
	[dreg:$0x6] =	wrdreg s4;
	s4 =	ssub.s32 s8, s10  }
0x1c: {  	s11 =	simm.s32 $0x2500;
	[dreg:$0x7] =	wrdreg s5;
	s9 =	smax.u32 s4, $0x1  }
0x1d: {  	s6 =	sadd.s32 s13, s2;
	s5 =	sor.u32 $0x1C01, s22;
	p1 =	sne.s32 s9, $0x1  }
.Ltmp0:
0x1e: {  	s22 =	simm.s32 $0x1A00;
	s1 =	sadd.s32 s1, s3;
	(pc) =	sbr.rel @!p1 .LBB2_3-.Ltmp0, $4  }
0x1f: {  	s3 =	simm.s32 $0x1;
	s6 =	sshrl.u32 s6, $0x3;
	s0 =	sadd.s32 $0x800, s0  }
0x20: {  	[dreg:$0x5] =	wrdreg s0;
	s8 =	sshrl.u32 s13, $0x3;
	s13 =	simm.s32 $0x2300  }
0x21: {  	s10 =	simm.s32 $0x2600;
	s4 =	simm.s32 $0x2800;
	s8 =	sadd.s32 s8, s1  }
0x22: {  	s0 =	rddreg [dreg:$0x6];
	s1 =	sadd.s32 $0xFFFFFFFF, s9;
	s9 =	simm.s32 $0x2700  }
0x23: {  	[tilespmem:s31], [sflag:$0x1] =	stream.linear.gather [hbm4b:s0+s31], $0x2800, $0x38;
	[tilespmem:$0x18400] =	vst v63  }
0x24: {  	_ =	swait.ge [sflag:s3], $0x2800  }
0x25: {  	[sflag:s3] =	ssyncset.done $0x0  }
0x26: {  	s0 =	rddreg [dreg:$0x4];
	[sflag:s3] =	ssyncadd.s32 $0xFFFFD800  }
0x27: {  	[tilespmem:s4], [sflag:$0x1] =	stream.linear.gather [hbm4b:s0+s31], $0x2000, $0x38;
	[tilespmem:$0x18400] =	vst v63  }
0x28: {  	_ =	swait.ge [sflag:s3], $0x2000  }
0x29: {  	[sflag:s3] =	ssyncset.done $0x0  }
0x2a: {  	s0 =	rddreg [dreg:$0x5];
	[sflag:s3] =	ssyncadd.s32 $0xFFFFE000  }
0x2b: {  	[spmem:s6], [sflag:s5] =	dma.local [hbm:s0], $0x2780  }
0x2c: {  	_ =	swait.ge [sflag:s3], $0x2780  }
0x2d: {  	[sflag:s3] =	ssyncset.done $0x0  }
0x2e: {  	[sflag:s3] =	ssyncadd.s32 $0xFFFFD880  }
0x2f: {  	[bflag:$0x0] =	sbarrier.arrive $0xFFFF  }
0x30: {  	[spmem:s2] =	stream.indirect.scatter.add.f32 [tilespmem:s4], [sflag:$0x1], $0x20, s31, s7, $0xb8;
	[tilespmem:$0x18400] =	vst v63  }
0x31: {  	_ =	swait.ge [sflag:s3], $0x2000  }
0x32: {  	[sflag:s3] =	ssyncset.done $0x0  }
0x33: {  	[sflag:s3] =	ssyncadd.s32 $0xFFFFE000  }
0x34: {  	[spmem:s2] =	stream.indirect.scatter.add.f32 [tilespmem:s4], [sflag:$0x1], $0x20, s7, s7, $0xb8;
	[tilespmem:$0x18400] =	vst v63  }
0x35: {  	_ =	swait.ge [sflag:s3], $0x2000  }
0x36: {  	[sflag:s3] =	ssyncset.done $0x0  }
0x37: {  	s0 =	rddreg [dreg:$0x7];
	[sflag:s3] =	ssyncadd.s32 $0xFFFFE000  }
0x38: {  	[spmem:s2] =	stream.indirect.scatter.add.f32 [tilespmem:s4], [sflag:$0x1], $0x20, s0, s7, $0xb8;
	[tilespmem:$0x18400] =	vst v63  }
0x39: {  	_ =	swait.ge [sflag:s3], $0x2000  }
0x3a: {  	[sflag:s3] =	ssyncset.done $0x0  }
0x3b: {  	s0 =	rddreg [dreg:$0x8];
	[sflag:s3] =	ssyncadd.s32 $0xFFFFE000  }
0x3c: {  	[spmem:s2] =	stream.indirect.scatter.add.f32 [tilespmem:s4], [sflag:$0x1], $0x20, s0, s7, $0xb8;
	[tilespmem:$0x18400] =	vst v63  }
0x3d: {  	_ =	swait.ge [sflag:s3], $0x2000  }
0x3e: {  	[sflag:s3] =	ssyncset.done $0x0  }
0x3f: {  	s0 =	rddreg [dreg:$0x9];
	[sflag:s3] =	ssyncadd.s32 $0xFFFFE000  }
0x40: {  	[spmem:s2] =	stream.indirect.scatter.add.f32 [tilespmem:s4], [sflag:$0x1], $0x20, s0, s7, $0xb8;
	[tilespmem:$0x18400] =	vst v63  }
0x41: {  	_ =	swait.ge [sflag:s3], $0x2000  }
0x42: {  	[sflag:s3] =	ssyncset.done $0x0  }
0x43: {  	s0 =	rddreg [dreg:$0xa];
	[sflag:s3] =	ssyncadd.s32 $0xFFFFE000  }
0x44: {  	[spmem:s2] =	stream.indirect.scatter.add.f32 [tilespmem:s4], [sflag:$0x1], $0x20, s0, s7, $0xb8;
	[tilespmem:$0x18400] =	vst v63  }
0x45: {  	_ =	swait.ge [sflag:s3], $0x2000  }
0x46: {  	[sflag:s3] =	ssyncset.done $0x0  }
0x47: {  	s0 =	rddreg [dreg:$0xb];
	[sflag:s3] =	ssyncadd.s32 $0xFFFFE000  }
0x48: {  	[spmem:s2] =	stream.indirect.scatter.add.f32 [tilespmem:s4], [sflag:$0x1], $0x20, s0, s7, $0xb8;
	[tilespmem:$0x18400] =	vst v63  }
0x49: {  	_ =	swait.ge [sflag:s3], $0x2000  }
0x4a: {  	[sflag:s3] =	ssyncset.done $0x0  }
0x4b: {  	s0 =	rddreg [dreg:$0xc];
	[sflag:s3] =	ssyncadd.s32 $0xFFFFE000  }
0x4c: {  	[spmem:s2] =	stream.indirect.scatter.add.f32 [tilespmem:s4], [sflag:$0x1], $0x20, s0, s7, $0xb8;
	[tilespmem:$0x18400] =	vst v63  }
0x4d: {  	_ =	swait.ge [sflag:s3], $0x2000  }
0x4e: {  	[sflag:s3] =	ssyncset.done $0x0  }
0x4f: {  	s0 =	rddreg [dreg:$0xd];
	[sflag:s3] =	ssyncadd.s32 $0xFFFFE000  }
0x50: {  	[spmem:s2] =	stream.indirect.scatter.add.f32 [tilespmem:s4], [sflag:$0x1], $0x20, s0, s7, $0xb8;
	[tilespmem:$0x18400] =	vst v63  }
0x51: {  	_ =	swait.ge [sflag:s3], $0x2000  }
0x52: {  	[sflag:s3] =	ssyncset.done $0x0  }
0x53: {  	s0 =	rddreg [dreg:$0xe];
	[sflag:s3] =	ssyncadd.s32 $0xFFFFE000  }
0x54: {  	[spmem:s2] =	stream.indirect.scatter.add.f32 [tilespmem:s4], [sflag:$0x1], $0x20, s0, s7, $0xb8;
	[tilespmem:$0x18400] =	vst v63  }
0x55: {  	_ =	swait.ge [sflag:s3], $0x2000  }
0x56: {  	[sflag:s3] =	ssyncset.done $0x0  }
0x57: {  	s0 =	rddreg [dreg:$0xf];
	[sflag:s3] =	ssyncadd.s32 $0xFFFFE000  }
0x58: {  	[spmem:s2] =	stream.indirect.scatter.add.f32 [tilespmem:s4], [sflag:$0x1], $0x20, s0, s7, $0xb8;
	[tilespmem:$0x18400] =	vst v63  }
0x59: {  	_ =	swait.ge [sflag:s3], $0x2000  }
0x5a: {  	[sflag:s3] =	ssyncset.done $0x0  }
0x5b: {  	s0 =	rddreg [dreg:$0x10];
	[sflag:s3] =	ssyncadd.s32 $0xFFFFE000  }
0x5c: {  	[spmem:s2] =	stream.indirect.scatter.add.f32 [tilespmem:s4], [sflag:$0x1], $0x20, s0, s7, $0xb8;
	[tilespmem:$0x18400] =	vst v63  }
0x5d: {  	_ =	swait.ge [sflag:s3], $0x2000  }
0x5e: {  	[sflag:s3] =	ssyncset.done $0x0  }
0x5f: {  	s0 =	rddreg [dreg:$0x11];
	[sflag:s3] =	ssyncadd.s32 $0xFFFFE000  }
0x60: {  	[spmem:s2] =	stream.indirect.scatter.add.f32 [tilespmem:s4], [sflag:$0x1], $0x20, s0, s7, $0xb8;
	[tilespmem:$0x18400] =	vst v63  }
0x61: {  	_ =	swait.ge [sflag:s3], $0x2000  }
0x62: {  	[sflag:s3] =	ssyncset.done $0x0  }
0x63: {  	s0 =	rddreg [dreg:$0x12];
	[sflag:s3] =	ssyncadd.s32 $0xFFFFE000  }
0x64: {  	[spmem:s2] =	stream.indirect.scatter.add.f32 [tilespmem:s4], [sflag:$0x1], $0x20, s0, s7, $0xb8;
	[tilespmem:$0x18400] =	vst v63  }
0x65: {  	_ =	swait.ge [sflag:s3], $0x2000  }
0x66: {  	[sflag:s3] =	ssyncset.done $0x0  }
0x67: {  	s0 =	rddreg [dreg:$0x13];
	[sflag:s3] =	ssyncadd.s32 $0xFFFFE000  }
0x68: {  	[spmem:s2] =	stream.indirect.scatter.add.f32 [tilespmem:s4], [sflag:$0x1], $0x20, s0, s7, $0xb8;
	[tilespmem:$0x18400] =	vst v63  }
0x69: {  	_ =	swait.ge [sflag:s3], $0x2000  }
0x6a: {  	[sflag:s3] =	ssyncset.done $0x0  }
0x6b: {  	s0 =	rddreg [dreg:$0x14];
	[sflag:s3] =	ssyncadd.s32 $0xFFFFE000  }
0x6c: {  	[spmem:s2] =	stream.indirect.scatter.add.f32 [tilespmem:s4], [sflag:$0x1], $0x20, s0, s7, $0xb8;
	[tilespmem:$0x18400] =	vst v63  }
0x6d: {  	_ =	swait.ge [sflag:s3], $0x2000  }
0x6e: {  	[sflag:s3] =	ssyncset.done $0x0  }
0x6f: {  	s0 =	rddreg [dreg:$0x15];
	[sflag:s3] =	ssyncadd.s32 $0xFFFFE000  }
0x70: {  	[spmem:s2] =	stream.indirect.scatter.add.f32 [tilespmem:s4], [sflag:$0x1], $0x20, s0, s7, $0xb8;
	[tilespmem:$0x18400] =	vst v63  }
0x71: {  	_ =	swait.ge [sflag:s3], $0x2000  }
0x72: {  	[sflag:s3] =	ssyncset.done $0x0  }
0x73: {  	s0 =	rddreg [dreg:$0x16];
	[sflag:s3] =	ssyncadd.s32 $0xFFFFE000  }
0x74: {  	[spmem:s2] =	stream.indirect.scatter.add.f32 [tilespmem:s4], [sflag:$0x1], $0x20, s0, s7, $0xb8;
	[tilespmem:$0x18400] =	vst v63  }
0x75: {  	_ =	swait.ge [sflag:s3], $0x2000  }
0x76: {  	[sflag:s3] =	ssyncset.done $0x0  }
0x77: {  	s0 =	rddreg [dreg:$0x17];
	[sflag:s3] =	ssyncadd.s32 $0xFFFFE000  }
0x78: {  	[spmem:s2] =	stream.indirect.scatter.add.f32 [tilespmem:s4], [sflag:$0x1], $0x20, s0, s7, $0xb8;
	[tilespmem:$0x18400] =	vst v63  }
0x79: {  	_ =	swait.ge [sflag:s3], $0x2000  }
0x7a: {  	[sflag:s3] =	ssyncset.done $0x0  }
0x7b: {  	[sflag:s3] =	ssyncadd.s32 $0xFFFFE000  }
0x7c: {  	[spmem:s2] =	stream.indirect.scatter.add.f32 [tilespmem:s4], [sflag:$0x1], $0x20, s30, s7, $0xb8;
	[tilespmem:$0x18400] =	vst v63  }
0x7d: {  	_ =	swait.ge [sflag:s3], $0x2000  }
0x7e: {  	[sflag:s3] =	ssyncset.done $0x0  }
0x7f: {  	[sflag:s3] =	ssyncadd.s32 $0xFFFFE000  }
0x80: {  	[spmem:s2] =	stream.indirect.scatter.add.f32 [tilespmem:s4], [sflag:$0x1], $0x20, s29, s7, $0xb8;
	[tilespmem:$0x18400] =	vst v63  }
0x81: {  	_ =	swait.ge [sflag:s3], $0x2000  }
0x82: {  	[sflag:s3] =	ssyncset.done $0x0  }
0x83: {  	[sflag:s3] =	ssyncadd.s32 $0xFFFFE000  }
0x84: {  	[spmem:s2] =	stream.indirect.scatter.add.f32 [tilespmem:s4], [sflag:$0x1], $0x20, s28, s7, $0xb8;
	[tilespmem:$0x18400] =	vst v63  }
0x85: {  	_ =	swait.ge [sflag:s3], $0x2000  }
0x86: {  	[sflag:s3] =	ssyncset.done $0x0  }
0x87: {  	[sflag:s3] =	ssyncadd.s32 $0xFFFFE000  }
0x88: {  	[spmem:s2] =	stream.indirect.scatter.add.f32 [tilespmem:s4], [sflag:$0x1], $0x20, s26, s7, $0xb8;
	[tilespmem:$0x18400] =	vst v63  }
0x89: {  	_ =	swait.ge [sflag:s3], $0x2000  }
0x8a: {  	[sflag:s3] =	ssyncset.done $0x0  }
0x8b: {  	[sflag:s3] =	ssyncadd.s32 $0xFFFFE000  }
0x8c: {  	[spmem:s2] =	stream.indirect.scatter.add.f32 [tilespmem:s4], [sflag:$0x1], $0x20, s25, s7, $0xb8;
	[tilespmem:$0x18400] =	vst v63  }
0x8d: {  	_ =	swait.ge [sflag:s3], $0x2000  }
0x8e: {  	[sflag:s3] =	ssyncset.done $0x0  }
0x8f: {  	[sflag:s3] =	ssyncadd.s32 $0xFFFFE000  }
0x90: {  	[spmem:s2] =	stream.indirect.scatter.add.f32 [tilespmem:s4], [sflag:$0x1], $0x20, s24, s7, $0xb8;
	[tilespmem:$0x18400] =	vst v63  }
0x91: {  	_ =	swait.ge [sflag:s3], $0x2000  }
0x92: {  	[sflag:s3] =	ssyncset.done $0x0  }
0x93: {  	[sflag:s3] =	ssyncadd.s32 $0xFFFFE000  }
0x94: {  	[spmem:s2] =	stream.indirect.scatter.add.f32 [tilespmem:s4], [sflag:$0x1], $0x20, s23, s7, $0xb8;
	[tilespmem:$0x18400] =	vst v63  }
0x95: {  	_ =	swait.ge [sflag:s3], $0x2000  }
0x96: {  	[sflag:s3] =	ssyncset.done $0x0  }
0x97: {  	[sflag:s3] =	ssyncadd.s32 $0xFFFFE000  }
0x98: {  	[spmem:s2] =	stream.indirect.scatter.add.f32 [tilespmem:s4], [sflag:$0x1], $0x20, s22, s7, $0xb8;
	[tilespmem:$0x18400] =	vst v63  }
0x99: {  	_ =	swait.ge [sflag:s3], $0x2000  }
0x9a: {  	[sflag:s3] =	ssyncset.done $0x0  }
0x9b: {  	[sflag:s3] =	ssyncadd.s32 $0xFFFFE000  }
0x9c: {  	[spmem:s2] =	stream.indirect.scatter.add.f32 [tilespmem:s4], [sflag:$0x1], $0x20, s21, s7, $0xb8;
	[tilespmem:$0x18400] =	vst v63  }
0x9d: {  	_ =	swait.ge [sflag:s3], $0x2000  }
0x9e: {  	[sflag:s3] =	ssyncset.done $0x0  }
0x9f: {  	[sflag:s3] =	ssyncadd.s32 $0xFFFFE000  }
0xa0: {  	[spmem:s2] =	stream.indirect.scatter.add.f32 [tilespmem:s4], [sflag:$0x1], $0x20, s20, s7, $0xb8;
	[tilespmem:$0x18400] =	vst v63  }
0xa1: {  	_ =	swait.ge [sflag:s3], $0x2000  }
0xa2: {  	[sflag:s3] =	ssyncset.done $0x0  }
0xa3: {  	[sflag:s3] =	ssyncadd.s32 $0xFFFFE000  }
0xa4: {  	[spmem:s2] =	stream.indirect.scatter.add.f32 [tilespmem:s4], [sflag:$0x1], $0x20, s19, s7, $0xb8;
	[tilespmem:$0x18400] =	vst v63  }
0xa5: {  	_ =	swait.ge [sflag:s3], $0x2000  }
0xa6: {  	[sflag:s3] =	ssyncset.done $0x0  }
0xa7: {  	[sflag:s3] =	ssyncadd.s32 $0xFFFFE000  }
0xa8: {  	[spmem:s2] =	stream.indirect.scatter.add.f32 [tilespmem:s4], [sflag:$0x1], $0x20, s18, s7, $0xb8;
	[tilespmem:$0x18400] =	vst v63  }
0xa9: {  	_ =	swait.ge [sflag:s3], $0x2000  }
0xaa: {  	[sflag:s3] =	ssyncset.done $0x0  }
0xab: {  	[sflag:s3] =	ssyncadd.s32 $0xFFFFE000  }
0xac: {  	[spmem:s2] =	stream.indirect.scatter.add.f32 [tilespmem:s4], [sflag:$0x1], $0x20, s17, s7, $0xb8;
	[tilespmem:$0x18400] =	vst v63  }
0xad: {  	_ =	swait.ge [sflag:s3], $0x2000  }
0xae: {  	[sflag:s3] =	ssyncset.done $0x0  }
0xaf: {  	[sflag:s3] =	ssyncadd.s32 $0xFFFFE000  }
0xb0: {  	[spmem:s2] =	stream.indirect.scatter.add.f32 [tilespmem:s4], [sflag:$0x1], $0x20, s16, s7, $0xb8;
	[tilespmem:$0x18400] =	vst v63  }
0xb1: {  	_ =	swait.ge [sflag:s3], $0x2000  }
0xb2: {  	[sflag:s3] =	ssyncset.done $0x0  }
0xb3: {  	[sflag:s3] =	ssyncadd.s32 $0xFFFFE000  }
0xb4: {  	[spmem:s2] =	stream.indirect.scatter.add.f32 [tilespmem:s4], [sflag:$0x1], $0x20, s14, s7, $0xb8;
	[tilespmem:$0x18400] =	vst v63  }
0xb5: {  	_ =	swait.ge [sflag:s3], $0x2000  }
0xb6: {  	[sflag:s3] =	ssyncset.done $0x0  }
0xb7: {  	[sflag:s3] =	ssyncadd.s32 $0xFFFFE000  }
0xb8: {  	[spmem:s2] =	stream.indirect.scatter.add.f32 [tilespmem:s4], [sflag:$0x1], $0x20, s15, s7, $0xb8;
	[tilespmem:$0x18400] =	vst v63  }
0xb9: {  	_ =	swait.ge [sflag:s3], $0x2000  }
0xba: {  	[sflag:s3] =	ssyncset.done $0x0  }
0xbb: {  	[sflag:s3] =	ssyncadd.s32 $0xFFFFE000  }
0xbc: {  	[spmem:s2] =	stream.indirect.scatter.add.f32 [tilespmem:s4], [sflag:$0x1], $0x20, s13, s7, $0xb8;
	[tilespmem:$0x18400] =	vst v63  }
0xbd: {  	_ =	swait.ge [sflag:s3], $0x2000  }
0xbe: {  	[sflag:s3] =	ssyncset.done $0x0  }
0xbf: {  	[sflag:s3] =	ssyncadd.s32 $0xFFFFE000  }
0xc0: {  	[spmem:s2] =	stream.indirect.scatter.add.f32 [tilespmem:s4], [sflag:$0x1], $0x20, s12, s7, $0xb8;
	[tilespmem:$0x18400] =	vst v63  }
0xc1: {  	_ =	swait.ge [sflag:s3], $0x2000  }
0xc2: {  	[sflag:s3] =	ssyncset.done $0x0  }
0xc3: {  	[sflag:s3] =	ssyncadd.s32 $0xFFFFE000  }
0xc4: {  	[spmem:s2] =	stream.indirect.scatter.add.f32 [tilespmem:s4], [sflag:$0x1], $0x20, s11, s7, $0xb8;
	[tilespmem:$0x18400] =	vst v63  }
0xc5: {  	_ =	swait.ge [sflag:s3], $0x2000  }
0xc6: {  	[sflag:s3] =	ssyncset.done $0x0  }
0xc7: {  	[sflag:s3] =	ssyncadd.s32 $0xFFFFE000  }
0xc8: {  	[spmem:s2] =	stream.indirect.scatter.add.f32 [tilespmem:s4], [sflag:$0x1], $0x20, s10, s7, $0xb8;
	[tilespmem:$0x18400] =	vst v63  }
0xc9: {  	_ =	swait.ge [sflag:s3], $0x2000  }
0xca: {  	[sflag:s3] =	ssyncset.done $0x0  }
0xcb: {  	[sflag:s3] =	ssyncadd.s32 $0xFFFFE000  }
0xcc: {  	[spmem:s2] =	stream.indirect.scatter.add.f32 [tilespmem:s4], [sflag:$0x1], $0x20, s9, s7, $0xb8;
	[tilespmem:$0x18400] =	vst v63  }
0xcd: {  	_ =	swait.ge [sflag:s3], $0x2000  }
0xce: {  	p1 =	sne.s32 s1, $0x1;
	[sflag:s3] =	ssyncset.done $0x0  }
.Ltmp1:
0xcf: {  	[sflag:s3] =	ssyncadd.s32 $0xFFFFE000;
	(pc) =	sbr.rel @!p1 .LBB2_3-.Ltmp1, $4  }
0xd0: {  	[bflag:$0x0] =	sbarrier.arrive $0xFFFF  }
0xd1: {  	[hbm:s8], [sflag:s5] =	dma.local [spmem:s6], $0x2780  }
0xd2: {  	s1 =	sadd.s32 $0xFFFFFFFF, s1;
	_ =	swait.ge [sflag:s3], $0x2780  }
0xd3: {  	p0 =	por $0x1, $0x1;
	s0 =	rddreg [dreg:$0x6];
	[sflag:s3] =	ssyncset.done $0x0  }
.LBB2_2:
0xd4: {  	[sflag:s3] =	ssyncadd.s32 $0xFFFFD880  }
0xd5: {  	[tilespmem:s31], [sflag:$0x1] =	stream.linear.gather [hbm4b:s0+s31], $0x2800, $0x38;
	[tilespmem:$0x18400] =	vst v63  }
0xd6: {  	_ =	swait.ge [sflag:s3], $0x2800  }
0xd7: {  	[sflag:s3] =	ssyncset.done $0x0  }
0xd8: {  	s0 =	rddreg [dreg:$0x4];
	[sflag:s3] =	ssyncadd.s32 $0xFFFFD800  }
0xd9: {  	[tilespmem:s4], [sflag:$0x1] =	stream.linear.gather [hbm4b:s0+s31], $0x2000, $0x38;
	[tilespmem:$0x18400] =	vst v63  }
0xda: {  	_ =	swait.ge [sflag:s3], $0x2000  }
0xdb: {  	[sflag:s3] =	ssyncset.done $0x0  }
0xdc: {  	s0 =	rddreg [dreg:$0x5];
	[sflag:s3] =	ssyncadd.s32 $0xFFFFE000  }
0xdd: {  	[spmem:s6], [sflag:s5] =	dma.local [hbm:s0], $0x2780  }
0xde: {  	_ =	swait.ge [sflag:s3], $0x2780  }
0xdf: {  	[sflag:s3] =	ssyncset.done $0x0  }
0xe0: {  	[sflag:s3] =	ssyncadd.s32 $0xFFFFD880  }
0xe1: {  	[bflag:$0x0] =	sbarrier.arrive $0xFFFF  }
0xe2: {  	[spmem:s2] =	stream.indirect.scatter.add.f32 [tilespmem:s4], [sflag:$0x1], $0x20, s31, s7, $0xb8;
	[tilespmem:$0x18400] =	vst v63  }
0xe3: {  	_ =	swait.ge [sflag:s3], $0x2000  }
0xe4: {  	[sflag:s3] =	ssyncset.done $0x0  }
0xe5: {  	[sflag:s3] =	ssyncadd.s32 $0xFFFFE000  }
0xe6: {  	[spmem:s2] =	stream.indirect.scatter.add.f32 [tilespmem:s4], [sflag:$0x1], $0x20, s7, s7, $0xb8;
	[tilespmem:$0x18400] =	vst v63  }
0xe7: {  	_ =	swait.ge [sflag:s3], $0x2000  }
0xe8: {  	[sflag:s3] =	ssyncset.done $0x0  }
0xe9: {  	s0 =	rddreg [dreg:$0x7];
	[sflag:s3] =	ssyncadd.s32 $0xFFFFE000  }
0xea: {  	[spmem:s2] =	stream.indirect.scatter.add.f32 [tilespmem:s4], [sflag:$0x1], $0x20, s0, s7, $0xb8;
	[tilespmem:$0x18400] =	vst v63  }
0xeb: {  	_ =	swait.ge [sflag:s3], $0x2000  }
0xec: {  	[sflag:s3] =	ssyncset.done $0x0  }
0xed: {  	s0 =	rddreg [dreg:$0x8];
	[sflag:s3] =	ssyncadd.s32 $0xFFFFE000  }
0xee: {  	[spmem:s2] =	stream.indirect.scatter.add.f32 [tilespmem:s4], [sflag:$0x1], $0x20, s0, s7, $0xb8;
	[tilespmem:$0x18400] =	vst v63  }
0xef: {  	_ =	swait.ge [sflag:s3], $0x2000  }
0xf0: {  	[sflag:s3] =	ssyncset.done $0x0  }
0xf1: {  	s0 =	rddreg [dreg:$0x9];
	[sflag:s3] =	ssyncadd.s32 $0xFFFFE000  }
0xf2: {  	[spmem:s2] =	stream.indirect.scatter.add.f32 [tilespmem:s4], [sflag:$0x1], $0x20, s0, s7, $0xb8;
	[tilespmem:$0x18400] =	vst v63  }
0xf3: {  	_ =	swait.ge [sflag:s3], $0x2000  }
0xf4: {  	[sflag:s3] =	ssyncset.done $0x0  }
0xf5: {  	s0 =	rddreg [dreg:$0xa];
	[sflag:s3] =	ssyncadd.s32 $0xFFFFE000  }
0xf6: {  	[spmem:s2] =	stream.indirect.scatter.add.f32 [tilespmem:s4], [sflag:$0x1], $0x20, s0, s7, $0xb8;
	[tilespmem:$0x18400] =	vst v63  }
0xf7: {  	_ =	swait.ge [sflag:s3], $0x2000  }
0xf8: {  	[sflag:s3] =	ssyncset.done $0x0  }
0xf9: {  	s0 =	rddreg [dreg:$0xb];
	[sflag:s3] =	ssyncadd.s32 $0xFFFFE000  }
0xfa: {  	[spmem:s2] =	stream.indirect.scatter.add.f32 [tilespmem:s4], [sflag:$0x1], $0x20, s0, s7, $0xb8;
	[tilespmem:$0x18400] =	vst v63  }
0xfb: {  	_ =	swait.ge [sflag:s3], $0x2000  }
0xfc: {  	[sflag:s3] =	ssyncset.done $0x0  }
0xfd: {  	s0 =	rddreg [dreg:$0xc];
	[sflag:s3] =	ssyncadd.s32 $0xFFFFE000  }
0xfe: {  	[spmem:s2] =	stream.indirect.scatter.add.f32 [tilespmem:s4], [sflag:$0x1], $0x20, s0, s7, $0xb8;
	[tilespmem:$0x18400] =	vst v63  }
0xff: {  	_ =	swait.ge [sflag:s3], $0x2000  }
0x100: {  	[sflag:s3] =	ssyncset.done $0x0  }
0x101: {  	s0 =	rddreg [dreg:$0xd];
	[sflag:s3] =	ssyncadd.s32 $0xFFFFE000  }
0x102: {  	[spmem:s2] =	stream.indirect.scatter.add.f32 [tilespmem:s4], [sflag:$0x1], $0x20, s0, s7, $0xb8;
	[tilespmem:$0x18400] =	vst v63  }
0x103: {  	_ =	swait.ge [sflag:s3], $0x2000  }
0x104: {  	[sflag:s3] =	ssyncset.done $0x0  }
0x105: {  	s0 =	rddreg [dreg:$0xe];
	[sflag:s3] =	ssyncadd.s32 $0xFFFFE000  }
0x106: {  	[spmem:s2] =	stream.indirect.scatter.add.f32 [tilespmem:s4], [sflag:$0x1], $0x20, s0, s7, $0xb8;
	[tilespmem:$0x18400] =	vst v63  }
0x107: {  	_ =	swait.ge [sflag:s3], $0x2000  }
0x108: {  	[sflag:s3] =	ssyncset.done $0x0  }
0x109: {  	s0 =	rddreg [dreg:$0xf];
	[sflag:s3] =	ssyncadd.s32 $0xFFFFE000  }
0x10a: {  	[spmem:s2] =	stream.indirect.scatter.add.f32 [tilespmem:s4], [sflag:$0x1], $0x20, s0, s7, $0xb8;
	[tilespmem:$0x18400] =	vst v63  }
0x10b: {  	_ =	swait.ge [sflag:s3], $0x2000  }
0x10c: {  	[sflag:s3] =	ssyncset.done $0x0  }
0x10d: {  	s0 =	rddreg [dreg:$0x10];
	[sflag:s3] =	ssyncadd.s32 $0xFFFFE000  }
0x10e: {  	[spmem:s2] =	stream.indirect.scatter.add.f32 [tilespmem:s4], [sflag:$0x1], $0x20, s0, s7, $0xb8;
	[tilespmem:$0x18400] =	vst v63  }
0x10f: {  	_ =	swait.ge [sflag:s3], $0x2000  }
0x110: {  	[sflag:s3] =	ssyncset.done $0x0  }
0x111: {  	s0 =	rddreg [dreg:$0x11];
	[sflag:s3] =	ssyncadd.s32 $0xFFFFE000  }
0x112: {  	[spmem:s2] =	stream.indirect.scatter.add.f32 [tilespmem:s4], [sflag:$0x1], $0x20, s0, s7, $0xb8;
	[tilespmem:$0x18400] =	vst v63  }
0x113: {  	_ =	swait.ge [sflag:s3], $0x2000  }
0x114: {  	[sflag:s3] =	ssyncset.done $0x0  }
0x115: {  	s0 =	rddreg [dreg:$0x12];
	[sflag:s3] =	ssyncadd.s32 $0xFFFFE000  }
0x116: {  	[spmem:s2] =	stream.indirect.scatter.add.f32 [tilespmem:s4], [sflag:$0x1], $0x20, s0, s7, $0xb8;
	[tilespmem:$0x18400] =	vst v63  }
0x117: {  	_ =	swait.ge [sflag:s3], $0x2000  }
0x118: {  	[sflag:s3] =	ssyncset.done $0x0  }
0x119: {  	s0 =	rddreg [dreg:$0x13];
	[sflag:s3] =	ssyncadd.s32 $0xFFFFE000  }
0x11a: {  	[spmem:s2] =	stream.indirect.scatter.add.f32 [tilespmem:s4], [sflag:$0x1], $0x20, s0, s7, $0xb8;
	[tilespmem:$0x18400] =	vst v63  }
0x11b: {  	_ =	swait.ge [sflag:s3], $0x2000  }
0x11c: {  	[sflag:s3] =	ssyncset.done $0x0  }
0x11d: {  	s0 =	rddreg [dreg:$0x14];
	[sflag:s3] =	ssyncadd.s32 $0xFFFFE000  }
0x11e: {  	[spmem:s2] =	stream.indirect.scatter.add.f32 [tilespmem:s4], [sflag:$0x1], $0x20, s0, s7, $0xb8;
	[tilespmem:$0x18400] =	vst v63  }
0x11f: {  	_ =	swait.ge [sflag:s3], $0x2000  }
0x120: {  	[sflag:s3] =	ssyncset.done $0x0  }
0x121: {  	s0 =	rddreg [dreg:$0x15];
	[sflag:s3] =	ssyncadd.s32 $0xFFFFE000  }
0x122: {  	[spmem:s2] =	stream.indirect.scatter.add.f32 [tilespmem:s4], [sflag:$0x1], $0x20, s0, s7, $0xb8;
	[tilespmem:$0x18400] =	vst v63  }
0x123: {  	_ =	swait.ge [sflag:s3], $0x2000  }
0x124: {  	[sflag:s3] =	ssyncset.done $0x0  }
0x125: {  	s0 =	rddreg [dreg:$0x16];
	[sflag:s3] =	ssyncadd.s32 $0xFFFFE000  }
0x126: {  	[spmem:s2] =	stream.indirect.scatter.add.f32 [tilespmem:s4], [sflag:$0x1], $0x20, s0, s7, $0xb8;
	[tilespmem:$0x18400] =	vst v63  }
0x127: {  	_ =	swait.ge [sflag:s3], $0x2000  }
0x128: {  	[sflag:s3] =	ssyncset.done $0x0  }
0x129: {  	s0 =	rddreg [dreg:$0x17];
	[sflag:s3] =	ssyncadd.s32 $0xFFFFE000  }
0x12a: {  	[spmem:s2] =	stream.indirect.scatter.add.f32 [tilespmem:s4], [sflag:$0x1], $0x20, s0, s7, $0xb8;
	[tilespmem:$0x18400] =	vst v63  }
0x12b: {  	_ =	swait.ge [sflag:s3], $0x2000  }
0x12c: {  	[sflag:s3] =	ssyncset.done $0x0  }
0x12d: {  	[sflag:s3] =	ssyncadd.s32 $0xFFFFE000  }
0x12e: {  	[spmem:s2] =	stream.indirect.scatter.add.f32 [tilespmem:s4], [sflag:$0x1], $0x20, s30, s7, $0xb8;
	[tilespmem:$0x18400] =	vst v63  }
0x12f: {  	_ =	swait.ge [sflag:s3], $0x2000  }
0x130: {  	[sflag:s3] =	ssyncset.done $0x0  }
0x131: {  	[sflag:s3] =	ssyncadd.s32 $0xFFFFE000  }
0x132: {  	[spmem:s2] =	stream.indirect.scatter.add.f32 [tilespmem:s4], [sflag:$0x1], $0x20, s29, s7, $0xb8;
	[tilespmem:$0x18400] =	vst v63  }
0x133: {  	_ =	swait.ge [sflag:s3], $0x2000  }
0x134: {  	[sflag:s3] =	ssyncset.done $0x0  }
0x135: {  	[sflag:s3] =	ssyncadd.s32 $0xFFFFE000  }
0x136: {  	[spmem:s2] =	stream.indirect.scatter.add.f32 [tilespmem:s4], [sflag:$0x1], $0x20, s28, s7, $0xb8;
	[tilespmem:$0x18400] =	vst v63  }
0x137: {  	_ =	swait.ge [sflag:s3], $0x2000  }
0x138: {  	[sflag:s3] =	ssyncset.done $0x0  }
0x139: {  	[sflag:s3] =	ssyncadd.s32 $0xFFFFE000  }
0x13a: {  	[spmem:s2] =	stream.indirect.scatter.add.f32 [tilespmem:s4], [sflag:$0x1], $0x20, s26, s7, $0xb8;
	[tilespmem:$0x18400] =	vst v63  }
0x13b: {  	_ =	swait.ge [sflag:s3], $0x2000  }
0x13c: {  	[sflag:s3] =	ssyncset.done $0x0  }
0x13d: {  	[sflag:s3] =	ssyncadd.s32 $0xFFFFE000  }
0x13e: {  	[spmem:s2] =	stream.indirect.scatter.add.f32 [tilespmem:s4], [sflag:$0x1], $0x20, s25, s7, $0xb8;
	[tilespmem:$0x18400] =	vst v63  }
0x13f: {  	_ =	swait.ge [sflag:s3], $0x2000  }
0x140: {  	[sflag:s3] =	ssyncset.done $0x0  }
0x141: {  	[sflag:s3] =	ssyncadd.s32 $0xFFFFE000  }
0x142: {  	[spmem:s2] =	stream.indirect.scatter.add.f32 [tilespmem:s4], [sflag:$0x1], $0x20, s24, s7, $0xb8;
	[tilespmem:$0x18400] =	vst v63  }
0x143: {  	_ =	swait.ge [sflag:s3], $0x2000  }
0x144: {  	[sflag:s3] =	ssyncset.done $0x0  }
0x145: {  	[sflag:s3] =	ssyncadd.s32 $0xFFFFE000  }
0x146: {  	[spmem:s2] =	stream.indirect.scatter.add.f32 [tilespmem:s4], [sflag:$0x1], $0x20, s23, s7, $0xb8;
	[tilespmem:$0x18400] =	vst v63  }
0x147: {  	_ =	swait.ge [sflag:s3], $0x2000  }
0x148: {  	[sflag:s3] =	ssyncset.done $0x0  }
0x149: {  	[sflag:s3] =	ssyncadd.s32 $0xFFFFE000  }
0x14a: {  	[spmem:s2] =	stream.indirect.scatter.add.f32 [tilespmem:s4], [sflag:$0x1], $0x20, s22, s7, $0xb8;
	[tilespmem:$0x18400] =	vst v63  }
0x14b: {  	_ =	swait.ge [sflag:s3], $0x2000  }
0x14c: {  	[sflag:s3] =	ssyncset.done $0x0  }
0x14d: {  	[sflag:s3] =	ssyncadd.s32 $0xFFFFE000  }
0x14e: {  	[spmem:s2] =	stream.indirect.scatter.add.f32 [tilespmem:s4], [sflag:$0x1], $0x20, s21, s7, $0xb8;
	[tilespmem:$0x18400] =	vst v63  }
0x14f: {  	_ =	swait.ge [sflag:s3], $0x2000  }
0x150: {  	[sflag:s3] =	ssyncset.done $0x0  }
0x151: {  	[sflag:s3] =	ssyncadd.s32 $0xFFFFE000  }
0x152: {  	[spmem:s2] =	stream.indirect.scatter.add.f32 [tilespmem:s4], [sflag:$0x1], $0x20, s20, s7, $0xb8;
	[tilespmem:$0x18400] =	vst v63  }
0x153: {  	_ =	swait.ge [sflag:s3], $0x2000  }
0x154: {  	[sflag:s3] =	ssyncset.done $0x0  }
0x155: {  	[sflag:s3] =	ssyncadd.s32 $0xFFFFE000  }
0x156: {  	[spmem:s2] =	stream.indirect.scatter.add.f32 [tilespmem:s4], [sflag:$0x1], $0x20, s19, s7, $0xb8;
	[tilespmem:$0x18400] =	vst v63  }
0x157: {  	_ =	swait.ge [sflag:s3], $0x2000  }
0x158: {  	[sflag:s3] =	ssyncset.done $0x0  }
0x159: {  	[sflag:s3] =	ssyncadd.s32 $0xFFFFE000  }
0x15a: {  	[spmem:s2] =	stream.indirect.scatter.add.f32 [tilespmem:s4], [sflag:$0x1], $0x20, s18, s7, $0xb8;
	[tilespmem:$0x18400] =	vst v63  }
0x15b: {  	_ =	swait.ge [sflag:s3], $0x2000  }
0x15c: {  	[sflag:s3] =	ssyncset.done $0x0  }
0x15d: {  	[sflag:s3] =	ssyncadd.s32 $0xFFFFE000  }
0x15e: {  	[spmem:s2] =	stream.indirect.scatter.add.f32 [tilespmem:s4], [sflag:$0x1], $0x20, s17, s7, $0xb8;
	[tilespmem:$0x18400] =	vst v63  }
0x15f: {  	_ =	swait.ge [sflag:s3], $0x2000  }
0x160: {  	[sflag:s3] =	ssyncset.done $0x0  }
0x161: {  	[sflag:s3] =	ssyncadd.s32 $0xFFFFE000  }
0x162: {  	[spmem:s2] =	stream.indirect.scatter.add.f32 [tilespmem:s4], [sflag:$0x1], $0x20, s16, s7, $0xb8;
	[tilespmem:$0x18400] =	vst v63  }
0x163: {  	_ =	swait.ge [sflag:s3], $0x2000  }
0x164: {  	[sflag:s3] =	ssyncset.done $0x0  }
0x165: {  	[sflag:s3] =	ssyncadd.s32 $0xFFFFE000  }
0x166: {  	[spmem:s2] =	stream.indirect.scatter.add.f32 [tilespmem:s4], [sflag:$0x1], $0x20, s14, s7, $0xb8;
	[tilespmem:$0x18400] =	vst v63  }
0x167: {  	_ =	swait.ge [sflag:s3], $0x2000  }
0x168: {  	[sflag:s3] =	ssyncset.done $0x0  }
0x169: {  	[sflag:s3] =	ssyncadd.s32 $0xFFFFE000  }
0x16a: {  	[spmem:s2] =	stream.indirect.scatter.add.f32 [tilespmem:s4], [sflag:$0x1], $0x20, s15, s7, $0xb8;
	[tilespmem:$0x18400] =	vst v63  }
0x16b: {  	_ =	swait.ge [sflag:s3], $0x2000  }
0x16c: {  	[sflag:s3] =	ssyncset.done $0x0  }
0x16d: {  	[sflag:s3] =	ssyncadd.s32 $0xFFFFE000  }
0x16e: {  	[spmem:s2] =	stream.indirect.scatter.add.f32 [tilespmem:s4], [sflag:$0x1], $0x20, s13, s7, $0xb8;
	[tilespmem:$0x18400] =	vst v63  }
0x16f: {  	_ =	swait.ge [sflag:s3], $0x2000  }
0x170: {  	[sflag:s3] =	ssyncset.done $0x0  }
0x171: {  	[sflag:s3] =	ssyncadd.s32 $0xFFFFE000  }
0x172: {  	[spmem:s2] =	stream.indirect.scatter.add.f32 [tilespmem:s4], [sflag:$0x1], $0x20, s12, s7, $0xb8;
	[tilespmem:$0x18400] =	vst v63  }
0x173: {  	_ =	swait.ge [sflag:s3], $0x2000  }
0x174: {  	[sflag:s3] =	ssyncset.done $0x0  }
0x175: {  	[sflag:s3] =	ssyncadd.s32 $0xFFFFE000  }
0x176: {  	[spmem:s2] =	stream.indirect.scatter.add.f32 [tilespmem:s4], [sflag:$0x1], $0x20, s11, s7, $0xb8;
	[tilespmem:$0x18400] =	vst v63  }
0x177: {  	_ =	swait.ge [sflag:s3], $0x2000  }
0x178: {  	[sflag:s3] =	ssyncset.done $0x0  }
0x179: {  	[sflag:s3] =	ssyncadd.s32 $0xFFFFE000  }
0x17a: {  	[spmem:s2] =	stream.indirect.scatter.add.f32 [tilespmem:s4], [sflag:$0x1], $0x20, s10, s7, $0xb8;
	[tilespmem:$0x18400] =	vst v63  }
0x17b: {  	_ =	swait.ge [sflag:s3], $0x2000  }
0x17c: {  	[sflag:s3] =	ssyncset.done $0x0  }
0x17d: {  	[sflag:s3] =	ssyncadd.s32 $0xFFFFE000  }
0x17e: {  	[spmem:s2] =	stream.indirect.scatter.add.f32 [tilespmem:s4], [sflag:$0x1], $0x20, s9, s7, $0xb8;
	[tilespmem:$0x18400] =	vst v63  }
0x17f: {  	_ =	swait.ge [sflag:s3], $0x2000  }
0x180: {  	p1 =	sne.s32 s1, $0x1;
	[sflag:s3] =	ssyncset.done $0x0  }
.Ltmp2:
0x181: {  	[sflag:s3] =	ssyncadd.s32 $0xFFFFE000;
	(pc) =	sbr.rel @p1 .LBB2_2-.Ltmp2, $4  }
0x182: {  	[bflag:$0x0] =	sbarrier.arrive $0xFFFF  }
0x183: {  	[hbm:s8], [sflag:s5] =	dma.local [spmem:s6], $0x2780  }
0x184: {  	_ =	swait.ge [sflag:s3], $0x2780  }
0x185: {  	s1 =	sadd.s32 $0xFFFFFFFF, s1;
	s0 =	rddreg [dreg:$0x6];
	[sflag:s3] =	ssyncset.done $0x0  }
.LBB2_3:
0x186: {  	[sflag:s3] =	ssyncadd.s32 @p0 $0xFFFFD880  }
0x187: {  	[tilespmem:s31], [sflag:$0x1] =	stream.linear.gather [hbm4b:s0+s31], $0x2800, $0x38;
	[tilespmem:$0x18400] =	vst v63  }
0x188: {  	_ =	swait.ge [sflag:s3], $0x2800  }
0x189: {  	[sflag:s3] =	ssyncset.done $0x0  }
0x18a: {  	s1 =	rddreg [dreg:$0x4];
	[sflag:s3] =	ssyncadd.s32 $0xFFFFD800  }
0x18b: {  	[tilespmem:s4], [sflag:$0x1] =	stream.linear.gather [hbm4b:s1+s31], $0x2000, $0x38;
	[tilespmem:$0x18400] =	vst v63  }
0x18c: {  	_ =	swait.ge [sflag:s3], $0x2000  }
0x18d: {  	[sflag:s3] =	ssyncset.done $0x0  }
0x18e: {  	s1 =	rddreg [dreg:$0x5];
	[sflag:s3] =	ssyncadd.s32 $0xFFFFE000  }
0x18f: {  	[spmem:s6], [sflag:s5] =	dma.local [hbm:s1], $0x2780  }
0x190: {  	_ =	swait.ge [sflag:s3], $0x2780  }
0x191: {  	[sflag:s3] =	ssyncset.done $0x0  }
0x192: {  	[sflag:s3] =	ssyncadd.s32 $0xFFFFD880  }
0x193: {  	[bflag:$0x0] =	sbarrier.arrive $0xFFFF  }
0x194: {  	[spmem:s2] =	stream.indirect.scatter.add.f32 [tilespmem:s4], [sflag:$0x1], $0x20, s31, s7, $0xb8;
	[tilespmem:$0x18400] =	vst v63  }
0x195: {  	_ =	swait.ge [sflag:s3], $0x2000  }
0x196: {  	[sflag:s3] =	ssyncset.done $0x0  }
0x197: {  	[sflag:s3] =	ssyncadd.s32 $0xFFFFE000  }
0x198: {  	[spmem:s2] =	stream.indirect.scatter.add.f32 [tilespmem:s4], [sflag:$0x1], $0x20, s7, s7, $0xb8;
	[tilespmem:$0x18400] =	vst v63  }
0x199: {  	_ =	swait.ge [sflag:s3], $0x2000  }
0x19a: {  	[sflag:s3] =	ssyncset.done $0x0  }
0x19b: {  	s1 =	rddreg [dreg:$0x7];
	[sflag:s3] =	ssyncadd.s32 $0xFFFFE000  }
0x19c: {  	[spmem:s2] =	stream.indirect.scatter.add.f32 [tilespmem:s4], [sflag:$0x1], $0x20, s1, s7, $0xb8;
	[tilespmem:$0x18400] =	vst v63  }
0x19d: {  	_ =	swait.ge [sflag:s3], $0x2000  }
0x19e: {  	[sflag:s3] =	ssyncset.done $0x0  }
0x19f: {  	s31 =	rddreg [dreg:$0x8];
	[sflag:s3] =	ssyncadd.s32 $0xFFFFE000  }
0x1a0: {  	[spmem:s2] =	stream.indirect.scatter.add.f32 [tilespmem:s4], [sflag:$0x1], $0x20, s31, s7, $0xb8;
	[tilespmem:$0x18400] =	vst v63  }
0x1a1: {  	_ =	swait.ge [sflag:s3], $0x2000  }
0x1a2: {  	[sflag:s3] =	ssyncset.done $0x0  }
0x1a3: {  	s1 =	rddreg [dreg:$0x9];
	[sflag:s3] =	ssyncadd.s32 $0xFFFFE000  }
0x1a4: {  	[spmem:s2] =	stream.indirect.scatter.add.f32 [tilespmem:s4], [sflag:$0x1], $0x20, s1, s7, $0xb8;
	[tilespmem:$0x18400] =	vst v63  }
0x1a5: {  	_ =	swait.ge [sflag:s3], $0x2000  }
0x1a6: {  	[sflag:s3] =	ssyncset.done $0x0  }
0x1a7: {  	s31 =	rddreg [dreg:$0xa];
	[sflag:s3] =	ssyncadd.s32 $0xFFFFE000  }
0x1a8: {  	[spmem:s2] =	stream.indirect.scatter.add.f32 [tilespmem:s4], [sflag:$0x1], $0x20, s31, s7, $0xb8;
	[tilespmem:$0x18400] =	vst v63  }
0x1a9: {  	_ =	swait.ge [sflag:s3], $0x2000  }
0x1aa: {  	[sflag:s3] =	ssyncset.done $0x0  }
0x1ab: {  	s1 =	rddreg [dreg:$0xb];
	[sflag:s3] =	ssyncadd.s32 $0xFFFFE000  }
0x1ac: {  	[spmem:s2] =	stream.indirect.scatter.add.f32 [tilespmem:s4], [sflag:$0x1], $0x20, s1, s7, $0xb8;
	[tilespmem:$0x18400] =	vst v63  }
0x1ad: {  	_ =	swait.ge [sflag:s3], $0x2000  }
0x1ae: {  	[sflag:s3] =	ssyncset.done $0x0  }
0x1af: {  	s31 =	rddreg [dreg:$0xc];
	[sflag:s3] =	ssyncadd.s32 $0xFFFFE000  }
0x1b0: {  	[spmem:s2] =	stream.indirect.scatter.add.f32 [tilespmem:s4], [sflag:$0x1], $0x20, s31, s7, $0xb8;
	[tilespmem:$0x18400] =	vst v63  }
0x1b1: {  	_ =	swait.ge [sflag:s3], $0x2000  }
0x1b2: {  	[sflag:s3] =	ssyncset.done $0x0  }
0x1b3: {  	s1 =	rddreg [dreg:$0xd];
	[sflag:s3] =	ssyncadd.s32 $0xFFFFE000  }
0x1b4: {  	[spmem:s2] =	stream.indirect.scatter.add.f32 [tilespmem:s4], [sflag:$0x1], $0x20, s1, s7, $0xb8;
	[tilespmem:$0x18400] =	vst v63  }
0x1b5: {  	_ =	swait.ge [sflag:s3], $0x2000  }
0x1b6: {  	[sflag:s3] =	ssyncset.done $0x0  }
0x1b7: {  	s31 =	rddreg [dreg:$0xe];
	[sflag:s3] =	ssyncadd.s32 $0xFFFFE000  }
0x1b8: {  	[spmem:s2] =	stream.indirect.scatter.add.f32 [tilespmem:s4], [sflag:$0x1], $0x20, s31, s7, $0xb8;
	[tilespmem:$0x18400] =	vst v63  }
0x1b9: {  	_ =	swait.ge [sflag:s3], $0x2000  }
0x1ba: {  	[sflag:s3] =	ssyncset.done $0x0  }
0x1bb: {  	s1 =	rddreg [dreg:$0xf];
	[sflag:s3] =	ssyncadd.s32 $0xFFFFE000  }
0x1bc: {  	[spmem:s2] =	stream.indirect.scatter.add.f32 [tilespmem:s4], [sflag:$0x1], $0x20, s1, s7, $0xb8;
	[tilespmem:$0x18400] =	vst v63  }
0x1bd: {  	_ =	swait.ge [sflag:s3], $0x2000  }
0x1be: {  	[sflag:s3] =	ssyncset.done $0x0  }
0x1bf: {  	s31 =	rddreg [dreg:$0x10];
	[sflag:s3] =	ssyncadd.s32 $0xFFFFE000  }
0x1c0: {  	[spmem:s2] =	stream.indirect.scatter.add.f32 [tilespmem:s4], [sflag:$0x1], $0x20, s31, s7, $0xb8;
	[tilespmem:$0x18400] =	vst v63  }
0x1c1: {  	_ =	swait.ge [sflag:s3], $0x2000  }
0x1c2: {  	[sflag:s3] =	ssyncset.done $0x0  }
0x1c3: {  	s1 =	rddreg [dreg:$0x11];
	[sflag:s3] =	ssyncadd.s32 $0xFFFFE000  }
0x1c4: {  	[spmem:s2] =	stream.indirect.scatter.add.f32 [tilespmem:s4], [sflag:$0x1], $0x20, s1, s7, $0xb8;
	[tilespmem:$0x18400] =	vst v63  }
0x1c5: {  	_ =	swait.ge [sflag:s3], $0x2000  }
0x1c6: {  	[sflag:s3] =	ssyncset.done $0x0  }
0x1c7: {  	s31 =	rddreg [dreg:$0x12];
	[sflag:s3] =	ssyncadd.s32 $0xFFFFE000  }
0x1c8: {  	[spmem:s2] =	stream.indirect.scatter.add.f32 [tilespmem:s4], [sflag:$0x1], $0x20, s31, s7, $0xb8;
	[tilespmem:$0x18400] =	vst v63  }
0x1c9: {  	_ =	swait.ge [sflag:s3], $0x2000  }
0x1ca: {  	[sflag:s3] =	ssyncset.done $0x0  }
0x1cb: {  	s1 =	rddreg [dreg:$0x13];
	[sflag:s3] =	ssyncadd.s32 $0xFFFFE000  }
0x1cc: {  	[spmem:s2] =	stream.indirect.scatter.add.f32 [tilespmem:s4], [sflag:$0x1], $0x20, s1, s7, $0xb8;
	[tilespmem:$0x18400] =	vst v63  }
0x1cd: {  	_ =	swait.ge [sflag:s3], $0x2000  }
0x1ce: {  	[sflag:s3] =	ssyncset.done $0x0  }
0x1cf: {  	s31 =	rddreg [dreg:$0x14];
	[sflag:s3] =	ssyncadd.s32 $0xFFFFE000  }
0x1d0: {  	[spmem:s2] =	stream.indirect.scatter.add.f32 [tilespmem:s4], [sflag:$0x1], $0x20, s31, s7, $0xb8;
	[tilespmem:$0x18400] =	vst v63  }
0x1d1: {  	_ =	swait.ge [sflag:s3], $0x2000  }
0x1d2: {  	[sflag:s3] =	ssyncset.done $0x0  }
0x1d3: {  	s1 =	rddreg [dreg:$0x15];
	[sflag:s3] =	ssyncadd.s32 $0xFFFFE000  }
0x1d4: {  	[spmem:s2] =	stream.indirect.scatter.add.f32 [tilespmem:s4], [sflag:$0x1], $0x20, s1, s7, $0xb8;
	[tilespmem:$0x18400] =	vst v63  }
0x1d5: {  	_ =	swait.ge [sflag:s3], $0x2000  }
0x1d6: {  	[sflag:s3] =	ssyncset.done $0x0  }
0x1d7: {  	s31 =	rddreg [dreg:$0x16];
	[sflag:s3] =	ssyncadd.s32 $0xFFFFE000  }
0x1d8: {  	[spmem:s2] =	stream.indirect.scatter.add.f32 [tilespmem:s4], [sflag:$0x1], $0x20, s31, s7, $0xb8;
	[tilespmem:$0x18400] =	vst v63  }
0x1d9: {  	_ =	swait.ge [sflag:s3], $0x2000  }
0x1da: {  	[sflag:s3] =	ssyncset.done $0x0  }
0x1db: {  	s1 =	rddreg [dreg:$0x17];
	[sflag:s3] =	ssyncadd.s32 $0xFFFFE000  }
0x1dc: {  	[spmem:s2] =	stream.indirect.scatter.add.f32 [tilespmem:s4], [sflag:$0x1], $0x20, s1, s7, $0xb8;
	[tilespmem:$0x18400] =	vst v63  }
0x1dd: {  	_ =	swait.ge [sflag:s3], $0x2000  }
0x1de: {  	[sflag:s3] =	ssyncset.done $0x0  }
0x1df: {  	[sflag:s3] =	ssyncadd.s32 $0xFFFFE000  }
0x1e0: {  	[spmem:s2] =	stream.indirect.scatter.add.f32 [tilespmem:s4], [sflag:$0x1], $0x20, s30, s7, $0xb8;
	[tilespmem:$0x18400] =	vst v63  }
0x1e1: {  	_ =	swait.ge [sflag:s3], $0x2000  }
0x1e2: {  	[sflag:s3] =	ssyncset.done $0x0  }
0x1e3: {  	[sflag:s3] =	ssyncadd.s32 $0xFFFFE000  }
0x1e4: {  	[spmem:s2] =	stream.indirect.scatter.add.f32 [tilespmem:s4], [sflag:$0x1], $0x20, s29, s7, $0xb8;
	[tilespmem:$0x18400] =	vst v63  }
0x1e5: {  	_ =	swait.ge [sflag:s3], $0x2000  }
0x1e6: {  	[sflag:s3] =	ssyncset.done $0x0  }
0x1e7: {  	[sflag:s3] =	ssyncadd.s32 $0xFFFFE000  }
0x1e8: {  	[spmem:s2] =	stream.indirect.scatter.add.f32 [tilespmem:s4], [sflag:$0x1], $0x20, s28, s7, $0xb8;
	[tilespmem:$0x18400] =	vst v63  }
0x1e9: {  	_ =	swait.ge [sflag:s3], $0x2000  }
0x1ea: {  	[sflag:s3] =	ssyncset.done $0x0  }
0x1eb: {  	[sflag:s3] =	ssyncadd.s32 $0xFFFFE000  }
0x1ec: {  	[spmem:s2] =	stream.indirect.scatter.add.f32 [tilespmem:s4], [sflag:$0x1], $0x20, s26, s7, $0xb8;
	[tilespmem:$0x18400] =	vst v63  }
0x1ed: {  	_ =	swait.ge [sflag:s3], $0x2000  }
0x1ee: {  	[sflag:s3] =	ssyncset.done $0x0  }
0x1ef: {  	[sflag:s3] =	ssyncadd.s32 $0xFFFFE000  }
0x1f0: {  	[spmem:s2] =	stream.indirect.scatter.add.f32 [tilespmem:s4], [sflag:$0x1], $0x20, s25, s7, $0xb8;
	[tilespmem:$0x18400] =	vst v63  }
0x1f1: {  	_ =	swait.ge [sflag:s3], $0x2000  }
0x1f2: {  	[sflag:s3] =	ssyncset.done $0x0  }
0x1f3: {  	[sflag:s3] =	ssyncadd.s32 $0xFFFFE000  }
0x1f4: {  	[spmem:s2] =	stream.indirect.scatter.add.f32 [tilespmem:s4], [sflag:$0x1], $0x20, s24, s7, $0xb8;
	[tilespmem:$0x18400] =	vst v63  }
0x1f5: {  	_ =	swait.ge [sflag:s3], $0x2000  }
0x1f6: {  	[sflag:s3] =	ssyncset.done $0x0  }
0x1f7: {  	[sflag:s3] =	ssyncadd.s32 $0xFFFFE000  }
0x1f8: {  	[spmem:s2] =	stream.indirect.scatter.add.f32 [tilespmem:s4], [sflag:$0x1], $0x20, s23, s7, $0xb8;
	[tilespmem:$0x18400] =	vst v63  }
0x1f9: {  	_ =	swait.ge [sflag:s3], $0x2000  }
0x1fa: {  	[sflag:s3] =	ssyncset.done $0x0  }
0x1fb: {  	[sflag:s3] =	ssyncadd.s32 $0xFFFFE000  }
0x1fc: {  	[spmem:s2] =	stream.indirect.scatter.add.f32 [tilespmem:s4], [sflag:$0x1], $0x20, s22, s7, $0xb8;
	[tilespmem:$0x18400] =	vst v63  }
0x1fd: {  	_ =	swait.ge [sflag:s3], $0x2000  }
0x1fe: {  	[sflag:s3] =	ssyncset.done $0x0  }
0x1ff: {  	[sflag:s3] =	ssyncadd.s32 $0xFFFFE000  }
0x200: {  	[spmem:s2] =	stream.indirect.scatter.add.f32 [tilespmem:s4], [sflag:$0x1], $0x20, s21, s7, $0xb8;
	[tilespmem:$0x18400] =	vst v63  }
0x201: {  	_ =	swait.ge [sflag:s3], $0x2000  }
0x202: {  	[sflag:s3] =	ssyncset.done $0x0  }
0x203: {  	[sflag:s3] =	ssyncadd.s32 $0xFFFFE000  }
0x204: {  	[spmem:s2] =	stream.indirect.scatter.add.f32 [tilespmem:s4], [sflag:$0x1], $0x20, s20, s7, $0xb8;
	[tilespmem:$0x18400] =	vst v63  }
0x205: {  	_ =	swait.ge [sflag:s3], $0x2000  }
0x206: {  	[sflag:s3] =	ssyncset.done $0x0  }
0x207: {  	[sflag:s3] =	ssyncadd.s32 $0xFFFFE000  }
0x208: {  	[spmem:s2] =	stream.indirect.scatter.add.f32 [tilespmem:s4], [sflag:$0x1], $0x20, s19, s7, $0xb8;
	[tilespmem:$0x18400] =	vst v63  }
0x209: {  	_ =	swait.ge [sflag:s3], $0x2000  }
0x20a: {  	[sflag:s3] =	ssyncset.done $0x0  }
0x20b: {  	[sflag:s3] =	ssyncadd.s32 $0xFFFFE000  }
0x20c: {  	[spmem:s2] =	stream.indirect.scatter.add.f32 [tilespmem:s4], [sflag:$0x1], $0x20, s18, s7, $0xb8;
	[tilespmem:$0x18400] =	vst v63  }
0x20d: {  	_ =	swait.ge [sflag:s3], $0x2000  }
0x20e: {  	[sflag:s3] =	ssyncset.done $0x0  }
0x20f: {  	[sflag:s3] =	ssyncadd.s32 $0xFFFFE000  }
0x210: {  	[spmem:s2] =	stream.indirect.scatter.add.f32 [tilespmem:s4], [sflag:$0x1], $0x20, s17, s7, $0xb8;
	[tilespmem:$0x18400] =	vst v63  }
0x211: {  	_ =	swait.ge [sflag:s3], $0x2000  }
0x212: {  	[sflag:s3] =	ssyncset.done $0x0  }
0x213: {  	[sflag:s3] =	ssyncadd.s32 $0xFFFFE000  }
0x214: {  	[spmem:s2] =	stream.indirect.scatter.add.f32 [tilespmem:s4], [sflag:$0x1], $0x20, s16, s7, $0xb8;
	[tilespmem:$0x18400] =	vst v63  }
0x215: {  	_ =	swait.ge [sflag:s3], $0x2000  }
0x216: {  	[sflag:s3] =	ssyncset.done $0x0  }
0x217: {  	[sflag:s3] =	ssyncadd.s32 $0xFFFFE000  }
0x218: {  	[spmem:s2] =	stream.indirect.scatter.add.f32 [tilespmem:s4], [sflag:$0x1], $0x20, s14, s7, $0xb8;
	[tilespmem:$0x18400] =	vst v63  }
0x219: {  	_ =	swait.ge [sflag:s3], $0x2000  }
0x21a: {  	[sflag:s3] =	ssyncset.done $0x0  }
0x21b: {  	[sflag:s3] =	ssyncadd.s32 $0xFFFFE000  }
0x21c: {  	[spmem:s2] =	stream.indirect.scatter.add.f32 [tilespmem:s4], [sflag:$0x1], $0x20, s15, s7, $0xb8;
	[tilespmem:$0x18400] =	vst v63  }
0x21d: {  	_ =	swait.ge [sflag:s3], $0x2000  }
0x21e: {  	[sflag:s3] =	ssyncset.done $0x0  }
0x21f: {  	[sflag:s3] =	ssyncadd.s32 $0xFFFFE000  }
0x220: {  	[spmem:s2] =	stream.indirect.scatter.add.f32 [tilespmem:s4], [sflag:$0x1], $0x20, s13, s7, $0xb8;
	[tilespmem:$0x18400] =	vst v63  }
0x221: {  	_ =	swait.ge [sflag:s3], $0x2000  }
0x222: {  	[sflag:s3] =	ssyncset.done $0x0  }
0x223: {  	[sflag:s3] =	ssyncadd.s32 $0xFFFFE000  }
0x224: {  	[spmem:s2] =	stream.indirect.scatter.add.f32 [tilespmem:s4], [sflag:$0x1], $0x20, s12, s7, $0xb8;
	[tilespmem:$0x18400] =	vst v63  }
0x225: {  	_ =	swait.ge [sflag:s3], $0x2000  }
0x226: {  	[sflag:s3] =	ssyncset.done $0x0  }
0x227: {  	[sflag:s3] =	ssyncadd.s32 $0xFFFFE000  }
0x228: {  	[spmem:s2] =	stream.indirect.scatter.add.f32 [tilespmem:s4], [sflag:$0x1], $0x20, s11, s7, $0xb8;
	[tilespmem:$0x18400] =	vst v63  }
0x229: {  	_ =	swait.ge [sflag:s3], $0x2000  }
0x22a: {  	[sflag:s3] =	ssyncset.done $0x0  }
0x22b: {  	[sflag:s3] =	ssyncadd.s32 $0xFFFFE000  }
0x22c: {  	[spmem:s2] =	stream.indirect.scatter.add.f32 [tilespmem:s4], [sflag:$0x1], $0x20, s10, s7, $0xb8;
	[tilespmem:$0x18400] =	vst v63  }
0x22d: {  	_ =	swait.ge [sflag:s3], $0x2000  }
0x22e: {  	[sflag:s3] =	ssyncset.done $0x0  }
0x22f: {  	[sflag:s3] =	ssyncadd.s32 $0xFFFFE000  }
0x230: {  	[spmem:s2] =	stream.indirect.scatter.add.f32 [tilespmem:s4], [sflag:$0x1], $0x20, s9, s7, $0xb8;
	[tilespmem:$0x18400] =	vst v63  }
0x231: {  	_ =	swait.ge [sflag:s3], $0x2000  }
0x232: {  	[sflag:s3] =	ssyncset.done $0x0  }
0x233: {  	[sflag:s3] =	ssyncadd.s32 $0xFFFFE000  }
0x234: {  	[bflag:$0x0] =	sbarrier.arrive $0xFFFF  }
0x235: {  	[hbm:s8], [sflag:s5] =	dma.local [spmem:s6], $0x2780  }
0x236: {  	_ =	swait.ge [sflag:s3], $0x2780  }
0x237: {  	[sflag:s3] =	ssyncset.done $0x0  }
0x238: {  	[sflag:s3] =	ssyncadd.s32 $0xFFFFD880  }
0x239: {  	_ =	sfence.sel $0x180000  }
0x23a: {  	[bflag:$0x0] =	sbarrier.arrive $0xFFFF  }
0x23b: {  	_ =	strace $0x90000047  }
0x23c: {  	s31 =	stileid.u32;
	[bflag:$0x2] =	sbarrier.arrive $0xFFFF  }
0x23d: {  	p0 =	sne.s32 s31, $0x0;
	s0 =	rddreg [dreg:$0x3]  }
0x23e: {  	s0 =	sadd.s32 @!p0 $0x100000, s0  }
0x23f: {  	[sflag:s0] =	ssyncadd.tile.s32 @!p0 $0x1;
	_ =	shalt  }
.Lfunc_end2:
_tile_overlayer_lowered:
.L_overlay_start_2:
0x240: {  	(tag) =	ssettag $0x2  }
0x241: {  	s0 =	rddreg [dreg:$0x0];
	s2 =	stileid.u32  }
0x242: {  	s1 =	rddreg [dreg:$0x1];
	p0 =	sne.s32 s2, $0x0  }
0x243: {  	s3 =	rddreg [dreg:$0x2];
	[bflag:$0x3] =	sbarrier.arrive $0xFFFF;
	s2 =	simm.s32 @!p0 $0x1C01  }
0x244: {  	[timem:s3], [sflag:s2] =	dma.local @!p0 [hbm:s0], s1  }
0x245: {  	s0 =	simm.s32 @!p0 $0x1  }
0x246: {  	_ =	swait.ge @!p0 [sflag:s0], s1  }
0x247: {  	s1 =	ssub.s32 @!p0 $0x0, s1;
	[sflag:s0] =	ssyncset.done @!p0 $0x0  }
0x248: {  	[sflag:s0] =	ssyncadd.s32 @!p0 s1  }
0x249: {  	[bflag:$0x3] =	sbarrier.arrive $0xFFFF  }
0x24a: {  	_ =	shalt  }

</sc_bundles>
